<compile_context>
chip_gen: v7x
topology: tpu7x:2x2x1
jax: 0.10.2.dev20260603
libtpu: 0.0.44.dev20260713+nightly
codegen_flags: <defaults>
</compile_context>

<pallas_src>
import functools

import jax
import jax.numpy as jnp
from jax import lax
from jax.experimental import pallas as pl
from jax.experimental.pallas import tpu as pltpu
from jax.experimental.pallas import tpu_sc as plsc

NC, NS = 2, 16
NW = NC * NS

NBUF = 4
LOOK = 2
CHR = 240
IDX_BLK = 16384


def _fb_sc_call(f2, fb):
    N, F = f2.shape
    S = fb.shape[0]
    rest = S - N

    fper = N // NW
    per = rest // NW // 8 * 8
    left = rest - NW * per
    nch = per // CHR // NBUF * NBUF
    groups = nch // NBUF
    tail = per - nch * CHR
    assert 0 < tail <= CHR and tail % 8 == 0

    f_chunks = []
    off = 0
    while off < fper:
        sz = min(CHR, fper - off)
        f_chunks.append((off, sz))
        off += sz

    mesh = plsc.VectorSubcoreMesh(
        core_axis_name="c", subcore_axis_name="s",
        num_cores=NC, num_subcores=NS,
    )

    @functools.partial(
        pl.kernel,
        out_type=jax.ShapeDtypeStruct((S, F), fb.dtype),
        mesh=mesh,
        scratch_types=(
            [pltpu.VMEM((CHR, F), fb.dtype)] * NBUF
            + [pltpu.SemaphoreType.DMA((NBUF,)),
               pltpu.SemaphoreType.DMA((NBUF,))]
        ),
    )
    def k(f_h, fb_h, out_h, buf0, buf1, buf2, buf3, gsem, ssem):
        bufs = (buf0, buf1, buf2, buf3)
        c_ax = lax.axis_index("c")
        s_ax = lax.axis_index("s")
        w = s_ax * NC + c_ax
        fb_base = w * per
        ob_base = N + w * per

        for off, sz in f_chunks:
            r0 = w * fper + off
            pltpu.sync_copy(f_h.at[pl.ds(r0, sz)], buf0.at[pl.ds(0, sz)])
            pltpu.sync_copy(buf0.at[pl.ds(0, sz)], out_h.at[pl.ds(r0, sz)])

        def g_copy(c, b):
            return pltpu.make_async_copy(
                fb_h.at[pl.ds(fb_base + c * CHR, CHR)], bufs[b], gsem.at[b])

        def s_copy(c, b):
            return pltpu.make_async_copy(
                bufs[b], out_h.at[pl.ds(ob_base + c * CHR, CHR)], ssem.at[b])

        def g_tail(b):
            return pltpu.make_async_copy(
                fb_h.at[pl.ds(fb_base + nch * CHR, tail)],
                bufs[b].at[pl.ds(0, tail)], gsem.at[b])

        g_copy(0, 0).start()
        g_copy(1, 1).start()

        def group_body(g, carry):
            for b in range(NBUF):
                c = NBUF * g + b
                g_copy(c, b).wait()
                s_copy(c, b).start()
                j = c + LOOK
                bj = (b + LOOK) % NBUF

                @pl.when(j < nch)
                def _():
                    @pl.when(j >= NBUF)
                    def _():
                        s_copy(j - NBUF, bj).wait()
                    g_copy(j, bj).start()

                @pl.when(j == nch)
                def _():
                    s_copy(j - NBUF, bj).wait()
                    g_tail(bj).start()
            return carry

        lax.fori_loop(0, groups, group_body, 0)

        b_t = nch % NBUF
        g_tail(b_t).wait()
        pltpu.make_async_copy(
            bufs[b_t].at[pl.ds(0, tail)],
            out_h.at[pl.ds(ob_base + nch * CHR, tail)],
            ssem.at[b_t]).start()
        for c in range(nch - 3, nch):
            s_copy(c, c % NBUF).wait()
        pltpu.make_async_copy(
            bufs[b_t].at[pl.ds(0, tail)],
            out_h.at[pl.ds(ob_base + nch * CHR, tail)],
            ssem.at[b_t]).wait()

        @pl.when(w == 0)
        def _():
            pltpu.sync_copy(fb_h.at[pl.ds(NW * per, left)],
                            buf0.at[pl.ds(0, left)])
            pltpu.sync_copy(buf0.at[pl.ds(0, left)],
                            out_h.at[pl.ds(N + NW * per, left)])

    return k(f2, fb)


def _idx_body(idx_ref, idxb_ref, idxo_ref):
    i = pl.program_id(0)

    @pl.when(i == 0)
    def _():
        idxo_ref[...] = idx_ref[...]

    @pl.when(i > 0)
    def _():
        idxo_ref[...] = idxb_ref[...]


def _idx_tc_call(idx2, idx_bank):
    (N,) = idx2.shape
    (S,) = idx_bank.shape
    assert N == IDX_BLK
    nidx = pl.cdiv(S, IDX_BLK)
    return pl.pallas_call(
        _idx_body,
        grid=(nidx,),
        in_specs=[
            pl.BlockSpec((IDX_BLK,), lambda i: (0,)),
            pl.BlockSpec((IDX_BLK,), lambda i: (jnp.maximum(i - 1, 0),)),
        ],
        out_specs=pl.BlockSpec((IDX_BLK,), lambda i: (i,)),
        out_shape=jax.ShapeDtypeStruct((S,), idx_bank.dtype),
    )(idx2, idx_bank)


def kernel(f, idx, fb, idx_bank):
    f2 = f.reshape(-1, f.shape[-1])
    idx2 = idx.reshape(-1)
    out_fb = _fb_sc_call(f2, fb)
    out_idx = _idx_tc_call(idx2, idx_bank)
    return (out_fb, out_idx)

# --- scband reference (transcript-rebuilt; emitter-appended) ---
"""Pipeline reference for scband-feature-bank-52312701665292 (READ-ONLY COPY).

The authoritative reference and input builder live on the scoring server;
editing this copy changes nothing except your own understanding.
"""

import jax, jax.numpy as jnp
import numpy as np

SIZE = 1000000
FDIM = 64
BATCH = 16384

def setup_inputs(seed: int = 0) -> dict:
    key = jax.random.key(seed)
    k1, k2 = jax.random.split(key)
    f = jax.random.normal(k1, (BATCH, FDIM), dtype=jnp.float32)
    idx = jax.random.randint(k2, (BATCH,), 0, SIZE, dtype=jnp.int32)
    # buffers per __init__: fb = normalize(full([size, f_dim], 1e8), dim=0)
    fb = jnp.full((SIZE, FDIM), 100000000.0, dtype=jnp.float32)
    fb = fb / jnp.sqrt(jnp.sum(fb * fb, axis=0, keepdims=True))
    idx_bank = jnp.full((SIZE,), -1, dtype=jnp.int32)
    return {"f": f, "idx": idx, "fb": fb, "idx_bank": idx_bank}

def reference(f, idx, fb, idx_bank):
    # Faithful translation of FeatureBank.addFeatures (the module's write path).
    f2 = f.reshape(-1, f.shape[-1])
    idx2 = idx.reshape(-1)
    N = f2.shape[0]
    fb_new = jnp.roll(fb, N, axis=0)
    fb_new = fb_new.at[:N].set(jax.lax.stop_gradient(f2))  # f.detach()
    idx_new = jnp.roll(idx_bank, N)
    idx_new = idx_new.at[:N].set(idx2)
    return (fb_new, idx_new)

if __name__ == "__main__":
    import jax
    _d = setup_inputs()
    print(jax.jit(kernel)(*tuple(_d.values())))

</pallas_src>

<mosaic_0001>
#map = affine_map<(d0, d1) -> (0, 0)>
module attributes {stable_mosaic.version = 14 : i64} {
  func.func @k(%arg0: i32, %arg1: i32, %arg2: memref<16384x64xf32, #tpu.memory_space<hbm>>, %arg3: memref<1000000x64xf32, #tpu.memory_space<hbm>>, %arg4: memref<1000000x64xf32, #tpu.memory_space<hbm>>, %arg5: memref<240x64xf32, #tpu.memory_space<vmem>>, %arg6: memref<240x64xf32, #tpu.memory_space<vmem>>, %arg7: memref<240x64xf32, #tpu.memory_space<vmem>>, %arg8: memref<240x64xf32, #tpu.memory_space<vmem>>, %arg9: memref<4x!tpu.dma_semaphore, #tpu.memory_space<semaphore_mem>>, %arg10: memref<4x!tpu.dma_semaphore, #tpu.memory_space<semaphore_mem>>) attributes {dimension_semantics = [#tpu.dimension_semantics<core_parallel>, #tpu.dimension_semantics<subcore_parallel>], iteration_bounds = array<i64: 2, 16>, scalar_prefetch = 0 : i64, scratch_operands = 6 : i64, tpu.core_type = #tpu.core_type<sc_vector_subcore>, window_params = [{transform_indices = #map}, {transform_indices = #map}, {transform_indices = #map}]} {
    %mul3A = arith.constant 2 : i32
    %mul3A_0 = arith.muli %arg1, %mul3A : i32
    %add3A = arith.addi %mul3A_0, %arg0 : i32
    %mul3A_1 = arith.constant 30736 : i32
    %mul3A_2 = arith.muli %add3A, %mul3A_1 : i32
    %mul3A_3 = arith.constant 30736 : i32
    %mul3A_4 = arith.muli %add3A, %mul3A_3 : i32
    %add3A_5 = arith.constant 16384 : i32
    %add3A_6 = arith.addi %add3A_5, %mul3A_4 : i32
    %mul3A_7 = arith.constant 512 : i32
    %mul3A_8 = arith.muli %add3A, %mul3A_7 : i32
    %add3A_9 = arith.constant 0 : i32
    %add3A_10 = arith.addi %mul3A_8, %add3A_9 : i32
    "tpu.region"() ({
      %run_scoped3A = tpu.sem_alloc : memref<!tpu.dma_semaphore, #tpu.memory_space<semaphore_mem>>
      %dma_start3A_114 = arith.constant 0 : i32
      %dma_start3A_115 = arith.constant 0 : i32
      %dma_start3A_116 = tpu.memref_slice %arg5[%dma_start3A_114, %dma_start3A_115] : memref<240x64xf32, #tpu.memory_space<vmem>> -> memref<240x64xf32, #tpu.memory_space<vmem>>
      %dma_start3A_117 = arith.constant 0 : i32
      %dma_start3A_118 = tpu.memref_slice %arg2[%add3A_10, %dma_start3A_117] : memref<16384x64xf32, #tpu.memory_space<hbm>> -> memref<240x64xf32, #tpu.memory_space<hbm>>
      %dma_start3A_119 = arith.constant 0 : i32
      %dma_start3A_120 = arith.constant 0 : i32
      %dma_start3A_121 = tpu.memref_slice %arg5[%dma_start3A_119, %dma_start3A_120] : memref<240x64xf32, #tpu.memory_space<vmem>> -> memref<240x64xf32, #tpu.memory_space<vmem>>
      %dma_start3A_122 = arith.constant 0 : i32
      %dma_start3A_123 = tpu.memref_slice %arg2[%add3A_10, %dma_start3A_122] : memref<16384x64xf32, #tpu.memory_space<hbm>> -> memref<240x64xf32, #tpu.memory_space<hbm>>
      tpu.enqueue_dma source(%dma_start3A_123 : memref<240x64xf32, #tpu.memory_space<hbm>>) target(%dma_start3A_121 : memref<240x64xf32, #tpu.memory_space<vmem>>) target_semaphore(%run_scoped3A : memref<!tpu.dma_semaphore, #tpu.memory_space<semaphore_mem>>)
      %dma_wait3A_124 = arith.constant 0 : i32
      %dma_wait3A_125 = arith.constant 0 : i32
      %dma_wait3A_126 = tpu.memref_slice %arg5[%dma_wait3A_124, %dma_wait3A_125] : memref<240x64xf32, #tpu.memory_space<vmem>> -> memref<240x64xf32, #tpu.memory_space<vmem>>
      %dma_wait3A_127 = arith.constant 0 : i32
      %dma_wait3A_128 = tpu.memref_slice %arg2[%add3A_10, %dma_wait3A_127] : memref<16384x64xf32, #tpu.memory_space<hbm>> -> memref<240x64xf32, #tpu.memory_space<hbm>>
      %dma_wait3A_129 = arith.constant 0 : i32
      %dma_wait3A_130 = arith.constant 0 : i32
      %dma_wait3A_131 = tpu.memref_slice %arg5[%dma_wait3A_129, %dma_wait3A_130] : memref<240x64xf32, #tpu.memory_space<vmem>> -> memref<240x64xf32, #tpu.memory_space<vmem>>
      %dma_wait3A_132 = arith.constant 0 : i32
      %dma_wait3A_133 = tpu.memref_slice %arg2[%add3A_10, %dma_wait3A_132] : memref<16384x64xf32, #tpu.memory_space<hbm>> -> memref<240x64xf32, #tpu.memory_space<hbm>>
      tpu.wait_dma2 semaphore(%run_scoped3A : memref<!tpu.dma_semaphore, #tpu.memory_space<semaphore_mem>>) src(%dma_wait3A_133 : memref<240x64xf32, #tpu.memory_space<hbm>>) dst(%dma_wait3A_131 : memref<240x64xf32, #tpu.memory_space<vmem>>)
      tpu.yield
    }) : () -> ()
    "tpu.region"() ({
      %run_scoped3A = tpu.sem_alloc : memref<!tpu.dma_semaphore, #tpu.memory_space<semaphore_mem>>
      %dma_start3A_114 = arith.constant 0 : i32
      %dma_start3A_115 = arith.constant 0 : i32
      %dma_start3A_116 = tpu.memref_slice %arg5[%dma_start3A_114, %dma_start3A_115] : memref<240x64xf32, #tpu.memory_space<vmem>> -> memref<240x64xf32, #tpu.memory_space<vmem>>
      %dma_start3A_117 = arith.constant 0 : i32
      %dma_start3A_118 = tpu.memref_slice %arg4[%add3A_10, %dma_start3A_117] : memref<1000000x64xf32, #tpu.memory_space<hbm>> -> memref<240x64xf32, #tpu.memory_space<hbm>>
      %dma_start3A_119 = arith.constant 0 : i32
      %dma_start3A_120 = tpu.memref_slice %arg4[%add3A_10, %dma_start3A_119] : memref<1000000x64xf32, #tpu.memory_space<hbm>> -> memref<240x64xf32, #tpu.memory_space<hbm>>
      %dma_start3A_121 = arith.constant 0 : i32
      %dma_start3A_122 = arith.constant 0 : i32
      %dma_start3A_123 = tpu.memref_slice %arg5[%dma_start3A_121, %dma_start3A_122] : memref<240x64xf32, #tpu.memory_space<vmem>> -> memref<240x64xf32, #tpu.memory_space<vmem>>
      tpu.enqueue_dma source(%dma_start3A_123 : memref<240x64xf32, #tpu.memory_space<vmem>>) target(%dma_start3A_120 : memref<240x64xf32, #tpu.memory_space<hbm>>) target_semaphore(%run_scoped3A : memref<!tpu.dma_semaphore, #tpu.memory_space<semaphore_mem>>)
      %dma_wait3A_124 = arith.constant 0 : i32
      %dma_wait3A_125 = arith.constant 0 : i32
      %dma_wait3A_126 = tpu.memref_slice %arg5[%dma_wait3A_124, %dma_wait3A_125] : memref<240x64xf32, #tpu.memory_space<vmem>> -> memref<240x64xf32, #tpu.memory_space<vmem>>
      %dma_wait3A_127 = arith.constant 0 : i32
      %dma_wait3A_128 = tpu.memref_slice %arg4[%add3A_10, %dma_wait3A_127] : memref<1000000x64xf32, #tpu.memory_space<hbm>> -> memref<240x64xf32, #tpu.memory_space<hbm>>
      %dma_wait3A_129 = arith.constant 0 : i32
      %dma_wait3A_130 = tpu.memref_slice %arg4[%add3A_10, %dma_wait3A_129] : memref<1000000x64xf32, #tpu.memory_space<hbm>> -> memref<240x64xf32, #tpu.memory_space<hbm>>
      %dma_wait3A_131 = arith.constant 0 : i32
      %dma_wait3A_132 = arith.constant 0 : i32
      %dma_wait3A_133 = tpu.memref_slice %arg5[%dma_wait3A_131, %dma_wait3A_132] : memref<240x64xf32, #tpu.memory_space<vmem>> -> memref<240x64xf32, #tpu.memory_space<vmem>>
      tpu.wait_dma2 semaphore(%run_scoped3A : memref<!tpu.dma_semaphore, #tpu.memory_space<semaphore_mem>>) src(%dma_wait3A_133 : memref<240x64xf32, #tpu.memory_space<vmem>>) dst(%dma_wait3A_130 : memref<240x64xf32, #tpu.memory_space<hbm>>)
      tpu.yield
    }) : () -> ()
    %mul3A_11 = arith.constant 512 : i32
    %mul3A_12 = arith.muli %add3A, %mul3A_11 : i32
    %add3A_13 = arith.constant 240 : i32
    %add3A_14 = arith.addi %mul3A_12, %add3A_13 : i32
    "tpu.region"() ({
      %run_scoped3A = tpu.sem_alloc : memref<!tpu.dma_semaphore, #tpu.memory_space<semaphore_mem>>
      %dma_start3A_114 = arith.constant 0 : i32
      %dma_start3A_115 = arith.constant 0 : i32
      %dma_start3A_116 = tpu.memref_slice %arg5[%dma_start3A_114, %dma_start3A_115] : memref<240x64xf32, #tpu.memory_space<vmem>> -> memref<240x64xf32, #tpu.memory_space<vmem>>
      %dma_start3A_117 = arith.constant 0 : i32
      %dma_start3A_118 = tpu.memref_slice %arg2[%add3A_14, %dma_start3A_117] : memref<16384x64xf32, #tpu.memory_space<hbm>> -> memref<240x64xf32, #tpu.memory_space<hbm>>
      %dma_start3A_119 = arith.constant 0 : i32
      %dma_start3A_120 = arith.constant 0 : i32
      %dma_start3A_121 = tpu.memref_slice %arg5[%dma_start3A_119, %dma_start3A_120] : memref<240x64xf32, #tpu.memory_space<vmem>> -> memref<240x64xf32, #tpu.memory_space<vmem>>
      %dma_start3A_122 = arith.constant 0 : i32
      %dma_start3A_123 = tpu.memref_slice %arg2[%add3A_14, %dma_start3A_122] : memref<16384x64xf32, #tpu.memory_space<hbm>> -> memref<240x64xf32, #tpu.memory_space<hbm>>
      tpu.enqueue_dma source(%dma_start3A_123 : memref<240x64xf32, #tpu.memory_space<hbm>>) target(%dma_start3A_121 : memref<240x64xf32, #tpu.memory_space<vmem>>) target_semaphore(%run_scoped3A : memref<!tpu.dma_semaphore, #tpu.memory_space<semaphore_mem>>)
      %dma_wait3A_124 = arith.constant 0 : i32
      %dma_wait3A_125 = arith.constant 0 : i32
      %dma_wait3A_126 = tpu.memref_slice %arg5[%dma_wait3A_124, %dma_wait3A_125] : memref<240x64xf32, #tpu.memory_space<vmem>> -> memref<240x64xf32, #tpu.memory_space<vmem>>
      %dma_wait3A_127 = arith.constant 0 : i32
      %dma_wait3A_128 = tpu.memref_slice %arg2[%add3A_14, %dma_wait3A_127] : memref<16384x64xf32, #tpu.memory_space<hbm>> -> memref<240x64xf32, #tpu.memory_space<hbm>>
      %dma_wait3A_129 = arith.constant 0 : i32
      %dma_wait3A_130 = arith.constant 0 : i32
      %dma_wait3A_131 = tpu.memref_slice %arg5[%dma_wait3A_129, %dma_wait3A_130] : memref<240x64xf32, #tpu.memory_space<vmem>> -> memref<240x64xf32, #tpu.memory_space<vmem>>
      %dma_wait3A_132 = arith.constant 0 : i32
      %dma_wait3A_133 = tpu.memref_slice %arg2[%add3A_14, %dma_wait3A_132] : memref<16384x64xf32, #tpu.memory_space<hbm>> -> memref<240x64xf32, #tpu.memory_space<hbm>>
      tpu.wait_dma2 semaphore(%run_scoped3A : memref<!tpu.dma_semaphore, #tpu.memory_space<semaphore_mem>>) src(%dma_wait3A_133 : memref<240x64xf32, #tpu.memory_space<hbm>>) dst(%dma_wait3A_131 : memref<240x64xf32, #tpu.memory_space<vmem>>)
      tpu.yield
    }) : () -> ()
    "tpu.region"() ({
      %run_scoped3A = tpu.sem_alloc : memref<!tpu.dma_semaphore, #tpu.memory_space<semaphore_mem>>
      %dma_start3A_114 = arith.constant 0 : i32
      %dma_start3A_115 = arith.constant 0 : i32
      %dma_start3A_116 = tpu.memref_slice %arg5[%dma_start3A_114, %dma_start3A_115] : memref<240x64xf32, #tpu.memory_space<vmem>> -> memref<240x64xf32, #tpu.memory_space<vmem>>
      %dma_start3A_117 = arith.constant 0 : i32
      %dma_start3A_118 = tpu.memref_slice %arg4[%add3A_14, %dma_start3A_117] : memref<1000000x64xf32, #tpu.memory_space<hbm>> -> memref<240x64xf32, #tpu.memory_space<hbm>>
      %dma_start3A_119 = arith.constant 0 : i32
      %dma_start3A_120 = tpu.memref_slice %arg4[%add3A_14, %dma_start3A_119] : memref<1000000x64xf32, #tpu.memory_space<hbm>> -> memref<240x64xf32, #tpu.memory_space<hbm>>
      %dma_start3A_121 = arith.constant 0 : i32
      %dma_start3A_122 = arith.constant 0 : i32
      %dma_start3A_123 = tpu.memref_slice %arg5[%dma_start3A_121, %dma_start3A_122] : memref<240x64xf32, #tpu.memory_space<vmem>> -> memref<240x64xf32, #tpu.memory_space<vmem>>
      tpu.enqueue_dma source(%dma_start3A_123 : memref<240x64xf32, #tpu.memory_space<vmem>>) target(%dma_start3A_120 : memref<240x64xf32, #tpu.memory_space<hbm>>) target_semaphore(%run_scoped3A : memref<!tpu.dma_semaphore, #tpu.memory_space<semaphore_mem>>)
      %dma_wait3A_124 = arith.constant 0 : i32
      %dma_wait3A_125 = arith.constant 0 : i32
      %dma_wait3A_126 = tpu.memref_slice %arg5[%dma_wait3A_124, %dma_wait3A_125] : memref<240x64xf32, #tpu.memory_space<vmem>> -> memref<240x64xf32, #tpu.memory_space<vmem>>
      %dma_wait3A_127 = arith.constant 0 : i32
      %dma_wait3A_128 = tpu.memref_slice %arg4[%add3A_14, %dma_wait3A_127] : memref<1000000x64xf32, #tpu.memory_space<hbm>> -> memref<240x64xf32, #tpu.memory_space<hbm>>
      %dma_wait3A_129 = arith.constant 0 : i32
      %dma_wait3A_130 = tpu.memref_slice %arg4[%add3A_14, %dma_wait3A_129] : memref<1000000x64xf32, #tpu.memory_space<hbm>> -> memref<240x64xf32, #tpu.memory_space<hbm>>
      %dma_wait3A_131 = arith.constant 0 : i32
      %dma_wait3A_132 = arith.constant 0 : i32
      %dma_wait3A_133 = tpu.memref_slice %arg5[%dma_wait3A_131, %dma_wait3A_132] : memref<240x64xf32, #tpu.memory_space<vmem>> -> memref<240x64xf32, #tpu.memory_space<vmem>>
      tpu.wait_dma2 semaphore(%run_scoped3A : memref<!tpu.dma_semaphore, #tpu.memory_space<semaphore_mem>>) src(%dma_wait3A_133 : memref<240x64xf32, #tpu.memory_space<vmem>>) dst(%dma_wait3A_130 : memref<240x64xf32, #tpu.memory_space<hbm>>)
      tpu.yield
    }) : () -> ()
    %mul3A_15 = arith.constant 512 : i32
    %mul3A_16 = arith.muli %add3A, %mul3A_15 : i32
    %add3A_17 = arith.constant 480 : i32
    %add3A_18 = arith.addi %mul3A_16, %add3A_17 : i32
    "tpu.region"() ({
      %run_scoped3A = tpu.sem_alloc : memref<!tpu.dma_semaphore, #tpu.memory_space<semaphore_mem>>
      %dma_start3A_114 = arith.constant 0 : i32
      %dma_start3A_115 = arith.constant 0 : i32
      %dma_start3A_116 = tpu.memref_slice %arg5[%dma_start3A_114, %dma_start3A_115] : memref<240x64xf32, #tpu.memory_space<vmem>> -> memref<32x64xf32, #tpu.memory_space<vmem>>
      %dma_start3A_117 = arith.constant 0 : i32
      %dma_start3A_118 = tpu.memref_slice %arg2[%add3A_18, %dma_start3A_117] : memref<16384x64xf32, #tpu.memory_space<hbm>> -> memref<32x64xf32, #tpu.memory_space<hbm>>
      %dma_start3A_119 = arith.constant 0 : i32
      %dma_start3A_120 = arith.constant 0 : i32
      %dma_start3A_121 = tpu.memref_slice %arg5[%dma_start3A_119, %dma_start3A_120] : memref<240x64xf32, #tpu.memory_space<vmem>> -> memref<32x64xf32, #tpu.memory_space<vmem>>
      %dma_start3A_122 = arith.constant 0 : i32
      %dma_start3A_123 = tpu.memref_slice %arg2[%add3A_18, %dma_start3A_122] : memref<16384x64xf32, #tpu.memory_space<hbm>> -> memref<32x64xf32, #tpu.memory_space<hbm>>
      tpu.enqueue_dma source(%dma_start3A_123 : memref<32x64xf32, #tpu.memory_space<hbm>>) target(%dma_start3A_121 : memref<32x64xf32, #tpu.memory_space<vmem>>) target_semaphore(%run_scoped3A : memref<!tpu.dma_semaphore, #tpu.memory_space<semaphore_mem>>)
      %dma_wait3A_124 = arith.constant 0 : i32
      %dma_wait3A_125 = arith.constant 0 : i32
      %dma_wait3A_126 = tpu.memref_slice %arg5[%dma_wait3A_124, %dma_wait3A_125] : memref<240x64xf32, #tpu.memory_space<vmem>> -> memref<32x64xf32, #tpu.memory_space<vmem>>
      %dma_wait3A_127 = arith.constant 0 : i32
      %dma_wait3A_128 = tpu.memref_slice %arg2[%add3A_18, %dma_wait3A_127] : memref<16384x64xf32, #tpu.memory_space<hbm>> -> memref<32x64xf32, #tpu.memory_space<hbm>>
      %dma_wait3A_129 = arith.constant 0 : i32
      %dma_wait3A_130 = arith.constant 0 : i32
      %dma_wait3A_131 = tpu.memref_slice %arg5[%dma_wait3A_129, %dma_wait3A_130] : memref<240x64xf32, #tpu.memory_space<vmem>> -> memref<32x64xf32, #tpu.memory_space<vmem>>
      %dma_wait3A_132 = arith.constant 0 : i32
      %dma_wait3A_133 = tpu.memref_slice %arg2[%add3A_18, %dma_wait3A_132] : memref<16384x64xf32, #tpu.memory_space<hbm>> -> memref<32x64xf32, #tpu.memory_space<hbm>>
      tpu.wait_dma2 semaphore(%run_scoped3A : memref<!tpu.dma_semaphore, #tpu.memory_space<semaphore_mem>>) src(%dma_wait3A_133 : memref<32x64xf32, #tpu.memory_space<hbm>>) dst(%dma_wait3A_131 : memref<32x64xf32, #tpu.memory_space<vmem>>)
      tpu.yield
    }) : () -> ()
    "tpu.region"() ({
      %run_scoped3A = tpu.sem_alloc : memref<!tpu.dma_semaphore, #tpu.memory_space<semaphore_mem>>
      %dma_start3A_114 = arith.constant 0 : i32
      %dma_start3A_115 = arith.constant 0 : i32
      %dma_start3A_116 = tpu.memref_slice %arg5[%dma_start3A_114, %dma_start3A_115] : memref<240x64xf32, #tpu.memory_space<vmem>> -> memref<32x64xf32, #tpu.memory_space<vmem>>
      %dma_start3A_117 = arith.constant 0 : i32
      %dma_start3A_118 = tpu.memref_slice %arg4[%add3A_18, %dma_start3A_117] : memref<1000000x64xf32, #tpu.memory_space<hbm>> -> memref<32x64xf32, #tpu.memory_space<hbm>>
      %dma_start3A_119 = arith.constant 0 : i32
      %dma_start3A_120 = tpu.memref_slice %arg4[%add3A_18, %dma_start3A_119] : memref<1000000x64xf32, #tpu.memory_space<hbm>> -> memref<32x64xf32, #tpu.memory_space<hbm>>
      %dma_start3A_121 = arith.constant 0 : i32
      %dma_start3A_122 = arith.constant 0 : i32
      %dma_start3A_123 = tpu.memref_slice %arg5[%dma_start3A_121, %dma_start3A_122] : memref<240x64xf32, #tpu.memory_space<vmem>> -> memref<32x64xf32, #tpu.memory_space<vmem>>
      tpu.enqueue_dma source(%dma_start3A_123 : memref<32x64xf32, #tpu.memory_space<vmem>>) target(%dma_start3A_120 : memref<32x64xf32, #tpu.memory_space<hbm>>) target_semaphore(%run_scoped3A : memref<!tpu.dma_semaphore, #tpu.memory_space<semaphore_mem>>)
      %dma_wait3A_124 = arith.constant 0 : i32
      %dma_wait3A_125 = arith.constant 0 : i32
      %dma_wait3A_126 = tpu.memref_slice %arg5[%dma_wait3A_124, %dma_wait3A_125] : memref<240x64xf32, #tpu.memory_space<vmem>> -> memref<32x64xf32, #tpu.memory_space<vmem>>
      %dma_wait3A_127 = arith.constant 0 : i32
      %dma_wait3A_128 = tpu.memref_slice %arg4[%add3A_18, %dma_wait3A_127] : memref<1000000x64xf32, #tpu.memory_space<hbm>> -> memref<32x64xf32, #tpu.memory_space<hbm>>
      %dma_wait3A_129 = arith.constant 0 : i32
      %dma_wait3A_130 = tpu.memref_slice %arg4[%add3A_18, %dma_wait3A_129] : memref<1000000x64xf32, #tpu.memory_space<hbm>> -> memref<32x64xf32, #tpu.memory_space<hbm>>
      %dma_wait3A_131 = arith.constant 0 : i32
      %dma_wait3A_132 = arith.constant 0 : i32
      %dma_wait3A_133 = tpu.memref_slice %arg5[%dma_wait3A_131, %dma_wait3A_132] : memref<240x64xf32, #tpu.memory_space<vmem>> -> memref<32x64xf32, #tpu.memory_space<vmem>>
      tpu.wait_dma2 semaphore(%run_scoped3A : memref<!tpu.dma_semaphore, #tpu.memory_space<semaphore_mem>>) src(%dma_wait3A_133 : memref<32x64xf32, #tpu.memory_space<vmem>>) dst(%dma_wait3A_130 : memref<32x64xf32, #tpu.memory_space<hbm>>)
      tpu.yield
    }) : () -> ()
    %add3A_19 = arith.constant 0 : i32
    %add3A_20 = arith.addi %mul3A_2, %add3A_19 : i32
    %dma_start3A = arith.constant 0 : i32
    %dma_start3A_21 = arith.constant 0 : i32
    %dma_start3A_22 = tpu.memref_slice %arg3[%add3A_20, %dma_start3A_21] : memref<1000000x64xf32, #tpu.memory_space<hbm>> -> memref<240x64xf32, #tpu.memory_space<hbm>>
    %dma_start3A_23 = tpu.memref_slice %arg9[%dma_start3A] : memref<4x!tpu.dma_semaphore, #tpu.memory_space<semaphore_mem>> -> memref<1x!tpu.dma_semaphore, #tpu.memory_space<semaphore_mem>>
    %dma_start3A_24 = tpu.memref_squeeze %dma_start3A_23 : memref<1x!tpu.dma_semaphore, #tpu.memory_space<semaphore_mem>> -> memref<!tpu.dma_semaphore, #tpu.memory_space<semaphore_mem>>
    %dma_start3A_25 = arith.constant 0 : i32
    %dma_start3A_26 = tpu.memref_slice %arg3[%add3A_20, %dma_start3A_25] : memref<1000000x64xf32, #tpu.memory_space<hbm>> -> memref<240x64xf32, #tpu.memory_space<hbm>>
    tpu.enqueue_dma source(%dma_start3A_26 : memref<240x64xf32, #tpu.memory_space<hbm>>) target(%arg5 : memref<240x64xf32, #tpu.memory_space<vmem>>) target_semaphore(%dma_start3A_24 : memref<!tpu.dma_semaphore, #tpu.memory_space<semaphore_mem>>)
    %add3A_27 = arith.constant 240 : i32
    %add3A_28 = arith.addi %mul3A_2, %add3A_27 : i32
    %dma_start3A_29 = arith.constant 1 : i32
    %dma_start3A_30 = arith.constant 0 : i32
    %dma_start3A_31 = tpu.memref_slice %arg3[%add3A_28, %dma_start3A_30] : memref<1000000x64xf32, #tpu.memory_space<hbm>> -> memref<240x64xf32, #tpu.memory_space<hbm>>
    %dma_start3A_32 = tpu.memref_slice %arg9[%dma_start3A_29] : memref<4x!tpu.dma_semaphore, #tpu.memory_space<semaphore_mem>> -> memref<1x!tpu.dma_semaphore, #tpu.memory_space<semaphore_mem>>
    %dma_start3A_33 = tpu.memref_squeeze %dma_start3A_32 : memref<1x!tpu.dma_semaphore, #tpu.memory_space<semaphore_mem>> -> memref<!tpu.dma_semaphore, #tpu.memory_space<semaphore_mem>>
    %dma_start3A_34 = arith.constant 0 : i32
    %dma_start3A_35 = tpu.memref_slice %arg3[%add3A_28, %dma_start3A_34] : memref<1000000x64xf32, #tpu.memory_space<hbm>> -> memref<240x64xf32, #tpu.memory_space<hbm>>
    tpu.enqueue_dma source(%dma_start3A_35 : memref<240x64xf32, #tpu.memory_space<hbm>>) target(%arg6 : memref<240x64xf32, #tpu.memory_space<vmem>>) target_semaphore(%dma_start3A_33 : memref<!tpu.dma_semaphore, #tpu.memory_space<semaphore_mem>>)
    %scan3A = arith.constant 0 : i32
    %scan3A_36 = arith.constant 0 : i32
    %scan3A_37 = arith.constant 32 : i32
    %scan3A_38 = arith.addi %scan3A_36, %scan3A_37 : i32
    %scan3A_39 = arith.constant 1 : i32
    scf.for %scan3A_114 = %scan3A_36 to %scan3A_38 step %scan3A_39  : i32 {
      %mul3A_115 = arith.constant 4 : i32
      %mul3A_116 = arith.muli %mul3A_115, %scan3A_114 : i32
      %add3A_117 = arith.constant 0 : i32
      %add3A_118 = arith.addi %mul3A_116, %add3A_117 : i32
      %mul3A_119 = arith.constant 240 : i32
      %mul3A_120 = arith.muli %add3A_118, %mul3A_119 : i32
      %add3A_121 = arith.addi %mul3A_2, %mul3A_120 : i32
      %dma_wait3A_122 = arith.constant 0 : i32
      %dma_wait3A_123 = arith.constant 0 : i32
      %dma_wait3A_124 = tpu.memref_slice %arg3[%add3A_121, %dma_wait3A_123] : memref<1000000x64xf32, #tpu.memory_space<hbm>> -> memref<240x64xf32, #tpu.memory_space<hbm>>
      %dma_wait3A_125 = tpu.memref_slice %arg9[%dma_wait3A_122] : memref<4x!tpu.dma_semaphore, #tpu.memory_space<semaphore_mem>> -> memref<1x!tpu.dma_semaphore, #tpu.memory_space<semaphore_mem>>
      %dma_wait3A_126 = tpu.memref_squeeze %dma_wait3A_125 : memref<1x!tpu.dma_semaphore, #tpu.memory_space<semaphore_mem>> -> memref<!tpu.dma_semaphore, #tpu.memory_space<semaphore_mem>>
      %dma_wait3A_127 = arith.constant 0 : i32
      %dma_wait3A_128 = tpu.memref_slice %arg3[%add3A_121, %dma_wait3A_127] : memref<1000000x64xf32, #tpu.memory_space<hbm>> -> memref<240x64xf32, #tpu.memory_space<hbm>>
      tpu.wait_dma2 semaphore(%dma_wait3A_126 : memref<!tpu.dma_semaphore, #tpu.memory_space<semaphore_mem>>) src(%dma_wait3A_128 : memref<240x64xf32, #tpu.memory_space<hbm>>) dst(%arg5 : memref<240x64xf32, #tpu.memory_space<vmem>>)
      %mul3A_129 = arith.constant 240 : i32
      %mul3A_130 = arith.muli %add3A_118, %mul3A_129 : i32
      %add3A_131 = arith.addi %add3A_6, %mul3A_130 : i32
      %dma_start3A_132 = arith.constant 0 : i32
      %dma_start3A_133 = arith.constant 0 : i32
      %dma_start3A_134 = tpu.memref_slice %arg4[%add3A_131, %dma_start3A_133] : memref<1000000x64xf32, #tpu.memory_space<hbm>> -> memref<240x64xf32, #tpu.memory_space<hbm>>
      %dma_start3A_135 = tpu.memref_slice %arg10[%dma_start3A_132] : memref<4x!tpu.dma_semaphore, #tpu.memory_space<semaphore_mem>> -> memref<1x!tpu.dma_semaphore, #tpu.memory_space<semaphore_mem>>
      %dma_start3A_136 = tpu.memref_squeeze %dma_start3A_135 : memref<1x!tpu.dma_semaphore, #tpu.memory_space<semaphore_mem>> -> memref<!tpu.dma_semaphore, #tpu.memory_space<semaphore_mem>>
      %dma_start3A_137 = arith.constant 0 : i32
      %dma_start3A_138 = tpu.memref_slice %arg4[%add3A_131, %dma_start3A_137] : memref<1000000x64xf32, #tpu.memory_space<hbm>> -> memref<240x64xf32, #tpu.memory_space<hbm>>
      tpu.enqueue_dma source(%arg5 : memref<240x64xf32, #tpu.memory_space<vmem>>) target(%dma_start3A_138 : memref<240x64xf32, #tpu.memory_space<hbm>>) target_semaphore(%dma_start3A_136 : memref<!tpu.dma_semaphore, #tpu.memory_space<semaphore_mem>>)
      %add3A_139 = arith.constant 2 : i32
      %add3A_140 = arith.addi %add3A_118, %add3A_139 : i32
      %lt3A = arith.constant 128 : i32
      %lt3A_141 = arith.cmpi slt, %add3A_140, %lt3A : i32
      %convert_element_type3A_142 = arith.extui %lt3A_141 : i1 to i32
      %cond3A_143 = arith.constant 0 : i32
      %cond3A_144 = arith.cmpi ne, %convert_element_type3A_142, %cond3A_143 : i32
      scf.if %cond3A_144 {
        %ge3A = arith.constant 4 : i32
        %ge3A_258 = arith.cmpi sge, %add3A_140, %ge3A : i32
        %convert_element_type3A_259 = arith.extui %ge3A_258 : i1 to i32
        %cond3A_260 = arith.constant 0 : i32
        %cond3A_261 = arith.cmpi ne, %convert_element_type3A_259, %cond3A_260 : i32
        scf.if %cond3A_261 {
          %sub3A = arith.constant 4 : i32
          %sub3A_272 = arith.subi %add3A_140, %sub3A : i32
          %mul3A_273 = arith.constant 240 : i32
          %mul3A_274 = arith.muli %sub3A_272, %mul3A_273 : i32
          %add3A_275 = arith.addi %add3A_6, %mul3A_274 : i32
          %dma_wait3A_276 = arith.constant 2 : i32
          %dma_wait3A_277 = arith.constant 0 : i32
          %dma_wait3A_278 = tpu.memref_slice %arg4[%add3A_275, %dma_wait3A_277] : memref<1000000x64xf32, #tpu.memory_space<hbm>> -> memref<240x64xf32, #tpu.memory_space<hbm>>
          %dma_wait3A_279 = tpu.memref_slice %arg10[%dma_wait3A_276] : memref<4x!tpu.dma_semaphore, #tpu.memory_space<semaphore_mem>> -> memref<1x!tpu.dma_semaphore, #tpu.memory_space<semaphore_mem>>
          %dma_wait3A_280 = tpu.memref_squeeze %dma_wait3A_279 : memref<1x!tpu.dma_semaphore, #tpu.memory_space<semaphore_mem>> -> memref<!tpu.dma_semaphore, #tpu.memory_space<semaphore_mem>>
          %dma_wait3A_281 = arith.constant 0 : i32
          %dma_wait3A_282 = tpu.memref_slice %arg4[%add3A_275, %dma_wait3A_281] : memref<1000000x64xf32, #tpu.memory_space<hbm>> -> memref<240x64xf32, #tpu.memory_space<hbm>>
          tpu.wait_dma2 semaphore(%dma_wait3A_280 : memref<!tpu.dma_semaphore, #tpu.memory_space<semaphore_mem>>) src(%arg7 : memref<240x64xf32, #tpu.memory_space<vmem>>) dst(%dma_wait3A_282 : memref<240x64xf32, #tpu.memory_space<hbm>>)
        } else {
        }
        %mul3A_262 = arith.constant 240 : i32
        %mul3A_263 = arith.muli %add3A_140, %mul3A_262 : i32
        %add3A_264 = arith.addi %mul3A_2, %mul3A_263 : i32
        %dma_start3A_265 = arith.constant 2 : i32
        %dma_start3A_266 = arith.constant 0 : i32
        %dma_start3A_267 = tpu.memref_slice %arg3[%add3A_264, %dma_start3A_266] : memref<1000000x64xf32, #tpu.memory_space<hbm>> -> memref<240x64xf32, #tpu.memory_space<hbm>>
        %dma_start3A_268 = tpu.memref_slice %arg9[%dma_start3A_265] : memref<4x!tpu.dma_semaphore, #tpu.memory_space<semaphore_mem>> -> memref<1x!tpu.dma_semaphore, #tpu.memory_space<semaphore_mem>>
        %dma_start3A_269 = tpu.memref_squeeze %dma_start3A_268 : memref<1x!tpu.dma_semaphore, #tpu.memory_space<semaphore_mem>> -> memref<!tpu.dma_semaphore, #tpu.memory_space<semaphore_mem>>
        %dma_start3A_270 = arith.constant 0 : i32
        %dma_start3A_271 = tpu.memref_slice %arg3[%add3A_264, %dma_start3A_270] : memref<1000000x64xf32, #tpu.memory_space<hbm>> -> memref<240x64xf32, #tpu.memory_space<hbm>>
        tpu.enqueue_dma source(%dma_start3A_271 : memref<240x64xf32, #tpu.memory_space<hbm>>) target(%arg7 : memref<240x64xf32, #tpu.memory_space<vmem>>) target_semaphore(%dma_start3A_269 : memref<!tpu.dma_semaphore, #tpu.memory_space<semaphore_mem>>)
      } else {
      }
      %eq3A_145 = arith.constant 128 : i32
      %eq3A_146 = arith.cmpi eq, %add3A_140, %eq3A_145 : i32
      %convert_element_type3A_147 = arith.extui %eq3A_146 : i1 to i32
      %cond3A_148 = arith.constant 0 : i32
      %cond3A_149 = arith.cmpi ne, %convert_element_type3A_147, %cond3A_148 : i32
      scf.if %cond3A_149 {
        %sub3A = arith.constant 4 : i32
        %sub3A_258 = arith.subi %add3A_140, %sub3A : i32
        %mul3A_259 = arith.constant 240 : i32
        %mul3A_260 = arith.muli %sub3A_258, %mul3A_259 : i32
        %add3A_261 = arith.addi %add3A_6, %mul3A_260 : i32
        %dma_wait3A_262 = arith.constant 2 : i32
        %dma_wait3A_263 = arith.constant 0 : i32
        %dma_wait3A_264 = tpu.memref_slice %arg4[%add3A_261, %dma_wait3A_263] : memref<1000000x64xf32, #tpu.memory_space<hbm>> -> memref<240x64xf32, #tpu.memory_space<hbm>>
        %dma_wait3A_265 = tpu.memref_slice %arg10[%dma_wait3A_262] : memref<4x!tpu.dma_semaphore, #tpu.memory_space<semaphore_mem>> -> memref<1x!tpu.dma_semaphore, #tpu.memory_space<semaphore_mem>>
        %dma_wait3A_266 = tpu.memref_squeeze %dma_wait3A_265 : memref<1x!tpu.dma_semaphore, #tpu.memory_space<semaphore_mem>> -> memref<!tpu.dma_semaphore, #tpu.memory_space<semaphore_mem>>
        %dma_wait3A_267 = arith.constant 0 : i32
        %dma_wait3A_268 = tpu.memref_slice %arg4[%add3A_261, %dma_wait3A_267] : memref<1000000x64xf32, #tpu.memory_space<hbm>> -> memref<240x64xf32, #tpu.memory_space<hbm>>
        tpu.wait_dma2 semaphore(%dma_wait3A_266 : memref<!tpu.dma_semaphore, #tpu.memory_space<semaphore_mem>>) src(%arg7 : memref<240x64xf32, #tpu.memory_space<vmem>>) dst(%dma_wait3A_268 : memref<240x64xf32, #tpu.memory_space<hbm>>)
        %add3A_269 = arith.constant 30720 : i32
        %add3A_270 = arith.addi %mul3A_2, %add3A_269 : i32
        %dma_start3A_271 = arith.constant 2 : i32
        %dma_start3A_272 = arith.constant 0 : i32
        %dma_start3A_273 = arith.constant 0 : i32
        %dma_start3A_274 = tpu.memref_slice %arg7[%dma_start3A_272, %dma_start3A_273] : memref<240x64xf32, #tpu.memory_space<vmem>> -> memref<16x64xf32, #tpu.memory_space<vmem>>
        %dma_start3A_275 = arith.constant 0 : i32
        %dma_start3A_276 = tpu.memref_slice %arg3[%add3A_270, %dma_start3A_275] : memref<1000000x64xf32, #tpu.memory_space<hbm>> -> memref<16x64xf32, #tpu.memory_space<hbm>>
        %dma_start3A_277 = tpu.memref_slice %arg9[%dma_start3A_271] : memref<4x!tpu.dma_semaphore, #tpu.memory_space<semaphore_mem>> -> memref<1x!tpu.dma_semaphore, #tpu.memory_space<semaphore_mem>>
        %dma_start3A_278 = tpu.memref_squeeze %dma_start3A_277 : memref<1x!tpu.dma_semaphore, #tpu.memory_space<semaphore_mem>> -> memref<!tpu.dma_semaphore, #tpu.memory_space<semaphore_mem>>
        %dma_start3A_279 = arith.constant 0 : i32
        %dma_start3A_280 = arith.constant 0 : i32
        %dma_start3A_281 = tpu.memref_slice %arg7[%dma_start3A_279, %dma_start3A_280] : memref<240x64xf32, #tpu.memory_space<vmem>> -> memref<16x64xf32, #tpu.memory_space<vmem>>
        %dma_start3A_282 = arith.constant 0 : i32
        %dma_start3A_283 = tpu.memref_slice %arg3[%add3A_270, %dma_start3A_282] : memref<1000000x64xf32, #tpu.memory_space<hbm>> -> memref<16x64xf32, #tpu.memory_space<hbm>>
        tpu.enqueue_dma source(%dma_start3A_283 : memref<16x64xf32, #tpu.memory_space<hbm>>) target(%dma_start3A_281 : memref<16x64xf32, #tpu.memory_space<vmem>>) target_semaphore(%dma_start3A_278 : memref<!tpu.dma_semaphore, #tpu.memory_space<semaphore_mem>>)
      } else {
      }
      %mul3A_150 = arith.constant 4 : i32
      %mul3A_151 = arith.muli %mul3A_150, %scan3A_114 : i32
      %add3A_152 = arith.constant 1 : i32
      %add3A_153 = arith.addi %mul3A_151, %add3A_152 : i32
      %mul3A_154 = arith.constant 240 : i32
      %mul3A_155 = arith.muli %add3A_153, %mul3A_154 : i32
      %add3A_156 = arith.addi %mul3A_2, %mul3A_155 : i32
      %dma_wait3A_157 = arith.constant 1 : i32
      %dma_wait3A_158 = arith.constant 0 : i32
      %dma_wait3A_159 = tpu.memref_slice %arg3[%add3A_156, %dma_wait3A_158] : memref<1000000x64xf32, #tpu.memory_space<hbm>> -> memref<240x64xf32, #tpu.memory_space<hbm>>
      %dma_wait3A_160 = tpu.memref_slice %arg9[%dma_wait3A_157] : memref<4x!tpu.dma_semaphore, #tpu.memory_space<semaphore_mem>> -> memref<1x!tpu.dma_semaphore, #tpu.memory_space<semaphore_mem>>
      %dma_wait3A_161 = tpu.memref_squeeze %dma_wait3A_160 : memref<1x!tpu.dma_semaphore, #tpu.memory_space<semaphore_mem>> -> memref<!tpu.dma_semaphore, #tpu.memory_space<semaphore_mem>>
      %dma_wait3A_162 = arith.constant 0 : i32
      %dma_wait3A_163 = tpu.memref_slice %arg3[%add3A_156, %dma_wait3A_162] : memref<1000000x64xf32, #tpu.memory_space<hbm>> -> memref<240x64xf32, #tpu.memory_space<hbm>>
      tpu.wait_dma2 semaphore(%dma_wait3A_161 : memref<!tpu.dma_semaphore, #tpu.memory_space<semaphore_mem>>) src(%dma_wait3A_163 : memref<240x64xf32, #tpu.memory_space<hbm>>) dst(%arg6 : memref<240x64xf32, #tpu.memory_space<vmem>>)
      %mul3A_164 = arith.constant 240 : i32
      %mul3A_165 = arith.muli %add3A_153, %mul3A_164 : i32
      %add3A_166 = arith.addi %add3A_6, %mul3A_165 : i32
      %dma_start3A_167 = arith.constant 1 : i32
      %dma_start3A_168 = arith.constant 0 : i32
      %dma_start3A_169 = tpu.memref_slice %arg4[%add3A_166, %dma_start3A_168] : memref<1000000x64xf32, #tpu.memory_space<hbm>> -> memref<240x64xf32, #tpu.memory_space<hbm>>
      %dma_start3A_170 = tpu.memref_slice %arg10[%dma_start3A_167] : memref<4x!tpu.dma_semaphore, #tpu.memory_space<semaphore_mem>> -> memref<1x!tpu.dma_semaphore, #tpu.memory_space<semaphore_mem>>
      %dma_start3A_171 = tpu.memref_squeeze %dma_start3A_170 : memref<1x!tpu.dma_semaphore, #tpu.memory_space<semaphore_mem>> -> memref<!tpu.dma_semaphore, #tpu.memory_space<semaphore_mem>>
      %dma_start3A_172 = arith.constant 0 : i32
      %dma_start3A_173 = tpu.memref_slice %arg4[%add3A_166, %dma_start3A_172] : memref<1000000x64xf32, #tpu.memory_space<hbm>> -> memref<240x64xf32, #tpu.memory_space<hbm>>
      tpu.enqueue_dma source(%arg6 : memref<240x64xf32, #tpu.memory_space<vmem>>) target(%dma_start3A_173 : memref<240x64xf32, #tpu.memory_space<hbm>>) target_semaphore(%dma_start3A_171 : memref<!tpu.dma_semaphore, #tpu.memory_space<semaphore_mem>>)
      %add3A_174 = arith.constant 2 : i32
      %add3A_175 = arith.addi %add3A_153, %add3A_174 : i32
      %lt3A_176 = arith.constant 128 : i32
      %lt3A_177 = arith.cmpi slt, %add3A_175, %lt3A_176 : i32
      %convert_element_type3A_178 = arith.extui %lt3A_177 : i1 to i32
      %cond3A_179 = arith.constant 0 : i32
      %cond3A_180 = arith.cmpi ne, %convert_element_type3A_178, %cond3A_179 : i32
      scf.if %cond3A_180 {
        %ge3A = arith.constant 4 : i32
        %ge3A_258 = arith.cmpi sge, %add3A_175, %ge3A : i32
        %convert_element_type3A_259 = arith.extui %ge3A_258 : i1 to i32
        %cond3A_260 = arith.constant 0 : i32
        %cond3A_261 = arith.cmpi ne, %convert_element_type3A_259, %cond3A_260 : i32
        scf.if %cond3A_261 {
          %sub3A = arith.constant 4 : i32
          %sub3A_272 = arith.subi %add3A_175, %sub3A : i32
          %mul3A_273 = arith.constant 240 : i32
          %mul3A_274 = arith.muli %sub3A_272, %mul3A_273 : i32
          %add3A_275 = arith.addi %add3A_6, %mul3A_274 : i32
          %dma_wait3A_276 = arith.constant 3 : i32
          %dma_wait3A_277 = arith.constant 0 : i32
          %dma_wait3A_278 = tpu.memref_slice %arg4[%add3A_275, %dma_wait3A_277] : memref<1000000x64xf32, #tpu.memory_space<hbm>> -> memref<240x64xf32, #tpu.memory_space<hbm>>
          %dma_wait3A_279 = tpu.memref_slice %arg10[%dma_wait3A_276] : memref<4x!tpu.dma_semaphore, #tpu.memory_space<semaphore_mem>> -> memref<1x!tpu.dma_semaphore, #tpu.memory_space<semaphore_mem>>
          %dma_wait3A_280 = tpu.memref_squeeze %dma_wait3A_279 : memref<1x!tpu.dma_semaphore, #tpu.memory_space<semaphore_mem>> -> memref<!tpu.dma_semaphore, #tpu.memory_space<semaphore_mem>>
          %dma_wait3A_281 = arith.constant 0 : i32
          %dma_wait3A_282 = tpu.memref_slice %arg4[%add3A_275, %dma_wait3A_281] : memref<1000000x64xf32, #tpu.memory_space<hbm>> -> memref<240x64xf32, #tpu.memory_space<hbm>>
          tpu.wait_dma2 semaphore(%dma_wait3A_280 : memref<!tpu.dma_semaphore, #tpu.memory_space<semaphore_mem>>) src(%arg8 : memref<240x64xf32, #tpu.memory_space<vmem>>) dst(%dma_wait3A_282 : memref<240x64xf32, #tpu.memory_space<hbm>>)
        } else {
        }
        %mul3A_262 = arith.constant 240 : i32
        %mul3A_263 = arith.muli %add3A_175, %mul3A_262 : i32
        %add3A_264 = arith.addi %mul3A_2, %mul3A_263 : i32
        %dma_start3A_265 = arith.constant 3 : i32
        %dma_start3A_266 = arith.constant 0 : i32
        %dma_start3A_267 = tpu.memref_slice %arg3[%add3A_264, %dma_start3A_266] : memref<1000000x64xf32, #tpu.memory_space<hbm>> -> memref<240x64xf32, #tpu.memory_space<hbm>>
        %dma_start3A_268 = tpu.memref_slice %arg9[%dma_start3A_265] : memref<4x!tpu.dma_semaphore, #tpu.memory_space<semaphore_mem>> -> memref<1x!tpu.dma_semaphore, #tpu.memory_space<semaphore_mem>>
        %dma_start3A_269 = tpu.memref_squeeze %dma_start3A_268 : memref<1x!tpu.dma_semaphore, #tpu.memory_space<semaphore_mem>> -> memref<!tpu.dma_semaphore, #tpu.memory_space<semaphore_mem>>
        %dma_start3A_270 = arith.constant 0 : i32
        %dma_start3A_271 = tpu.memref_slice %arg3[%add3A_264, %dma_start3A_270] : memref<1000000x64xf32, #tpu.memory_space<hbm>> -> memref<240x64xf32, #tpu.memory_space<hbm>>
        tpu.enqueue_dma source(%dma_start3A_271 : memref<240x64xf32, #tpu.memory_space<hbm>>) target(%arg8 : memref<240x64xf32, #tpu.memory_space<vmem>>) target_semaphore(%dma_start3A_269 : memref<!tpu.dma_semaphore, #tpu.memory_space<semaphore_mem>>)
      } else {
      }
      %eq3A_181 = arith.constant 128 : i32
      %eq3A_182 = arith.cmpi eq, %add3A_175, %eq3A_181 : i32
      %convert_element_type3A_183 = arith.extui %eq3A_182 : i1 to i32
      %cond3A_184 = arith.constant 0 : i32
      %cond3A_185 = arith.cmpi ne, %convert_element_type3A_183, %cond3A_184 : i32
      scf.if %cond3A_185 {
        %sub3A = arith.constant 4 : i32
        %sub3A_258 = arith.subi %add3A_175, %sub3A : i32
        %mul3A_259 = arith.constant 240 : i32
        %mul3A_260 = arith.muli %sub3A_258, %mul3A_259 : i32
        %add3A_261 = arith.addi %add3A_6, %mul3A_260 : i32
        %dma_wait3A_262 = arith.constant 3 : i32
        %dma_wait3A_263 = arith.constant 0 : i32
        %dma_wait3A_264 = tpu.memref_slice %arg4[%add3A_261, %dma_wait3A_263] : memref<1000000x64xf32, #tpu.memory_space<hbm>> -> memref<240x64xf32, #tpu.memory_space<hbm>>
        %dma_wait3A_265 = tpu.memref_slice %arg10[%dma_wait3A_262] : memref<4x!tpu.dma_semaphore, #tpu.memory_space<semaphore_mem>> -> memref<1x!tpu.dma_semaphore, #tpu.memory_space<semaphore_mem>>
        %dma_wait3A_266 = tpu.memref_squeeze %dma_wait3A_265 : memref<1x!tpu.dma_semaphore, #tpu.memory_space<semaphore_mem>> -> memref<!tpu.dma_semaphore, #tpu.memory_space<semaphore_mem>>
        %dma_wait3A_267 = arith.constant 0 : i32
        %dma_wait3A_268 = tpu.memref_slice %arg4[%add3A_261, %dma_wait3A_267] : memref<1000000x64xf32, #tpu.memory_space<hbm>> -> memref<240x64xf32, #tpu.memory_space<hbm>>
        tpu.wait_dma2 semaphore(%dma_wait3A_266 : memref<!tpu.dma_semaphore, #tpu.memory_space<semaphore_mem>>) src(%arg8 : memref<240x64xf32, #tpu.memory_space<vmem>>) dst(%dma_wait3A_268 : memref<240x64xf32, #tpu.memory_space<hbm>>)
        %add3A_269 = arith.constant 30720 : i32
        %add3A_270 = arith.addi %mul3A_2, %add3A_269 : i32
        %dma_start3A_271 = arith.constant 3 : i32
        %dma_start3A_272 = arith.constant 0 : i32
        %dma_start3A_273 = arith.constant 0 : i32
        %dma_start3A_274 = tpu.memref_slice %arg8[%dma_start3A_272, %dma_start3A_273] : memref<240x64xf32, #tpu.memory_space<vmem>> -> memref<16x64xf32, #tpu.memory_space<vmem>>
        %dma_start3A_275 = arith.constant 0 : i32
        %dma_start3A_276 = tpu.memref_slice %arg3[%add3A_270, %dma_start3A_275] : memref<1000000x64xf32, #tpu.memory_space<hbm>> -> memref<16x64xf32, #tpu.memory_space<hbm>>
        %dma_start3A_277 = tpu.memref_slice %arg9[%dma_start3A_271] : memref<4x!tpu.dma_semaphore, #tpu.memory_space<semaphore_mem>> -> memref<1x!tpu.dma_semaphore, #tpu.memory_space<semaphore_mem>>
        %dma_start3A_278 = tpu.memref_squeeze %dma_start3A_277 : memref<1x!tpu.dma_semaphore, #tpu.memory_space<semaphore_mem>> -> memref<!tpu.dma_semaphore, #tpu.memory_space<semaphore_mem>>
        %dma_start3A_279 = arith.constant 0 : i32
        %dma_start3A_280 = arith.constant 0 : i32
        %dma_start3A_281 = tpu.memref_slice %arg8[%dma_start3A_279, %dma_start3A_280] : memref<240x64xf32, #tpu.memory_space<vmem>> -> memref<16x64xf32, #tpu.memory_space<vmem>>
        %dma_start3A_282 = arith.constant 0 : i32
        %dma_start3A_283 = tpu.memref_slice %arg3[%add3A_270, %dma_start3A_282] : memref<1000000x64xf32, #tpu.memory_space<hbm>> -> memref<16x64xf32, #tpu.memory_space<hbm>>
        tpu.enqueue_dma source(%dma_start3A_283 : memref<16x64xf32, #tpu.memory_space<hbm>>) target(%dma_start3A_281 : memref<16x64xf32, #tpu.memory_space<vmem>>) target_semaphore(%dma_start3A_278 : memref<!tpu.dma_semaphore, #tpu.memory_space<semaphore_mem>>)
      } else {
      }
      %mul3A_186 = arith.constant 4 : i32
      %mul3A_187 = arith.muli %mul3A_186, %scan3A_114 : i32
      %add3A_188 = arith.constant 2 : i32
      %add3A_189 = arith.addi %mul3A_187, %add3A_188 : i32
      %mul3A_190 = arith.constant 240 : i32
      %mul3A_191 = arith.muli %add3A_189, %mul3A_190 : i32
      %add3A_192 = arith.addi %mul3A_2, %mul3A_191 : i32
      %dma_wait3A_193 = arith.constant 2 : i32
      %dma_wait3A_194 = arith.constant 0 : i32
      %dma_wait3A_195 = tpu.memref_slice %arg3[%add3A_192, %dma_wait3A_194] : memref<1000000x64xf32, #tpu.memory_space<hbm>> -> memref<240x64xf32, #tpu.memory_space<hbm>>
      %dma_wait3A_196 = tpu.memref_slice %arg9[%dma_wait3A_193] : memref<4x!tpu.dma_semaphore, #tpu.memory_space<semaphore_mem>> -> memref<1x!tpu.dma_semaphore, #tpu.memory_space<semaphore_mem>>
      %dma_wait3A_197 = tpu.memref_squeeze %dma_wait3A_196 : memref<1x!tpu.dma_semaphore, #tpu.memory_space<semaphore_mem>> -> memref<!tpu.dma_semaphore, #tpu.memory_space<semaphore_mem>>
      %dma_wait3A_198 = arith.constant 0 : i32
      %dma_wait3A_199 = tpu.memref_slice %arg3[%add3A_192, %dma_wait3A_198] : memref<1000000x64xf32, #tpu.memory_space<hbm>> -> memref<240x64xf32, #tpu.memory_space<hbm>>
      tpu.wait_dma2 semaphore(%dma_wait3A_197 : memref<!tpu.dma_semaphore, #tpu.memory_space<semaphore_mem>>) src(%dma_wait3A_199 : memref<240x64xf32, #tpu.memory_space<hbm>>) dst(%arg7 : memref<240x64xf32, #tpu.memory_space<vmem>>)
      %mul3A_200 = arith.constant 240 : i32
      %mul3A_201 = arith.muli %add3A_189, %mul3A_200 : i32
      %add3A_202 = arith.addi %add3A_6, %mul3A_201 : i32
      %dma_start3A_203 = arith.constant 2 : i32
      %dma_start3A_204 = arith.constant 0 : i32
      %dma_start3A_205 = tpu.memref_slice %arg4[%add3A_202, %dma_start3A_204] : memref<1000000x64xf32, #tpu.memory_space<hbm>> -> memref<240x64xf32, #tpu.memory_space<hbm>>
      %dma_start3A_206 = tpu.memref_slice %arg10[%dma_start3A_203] : memref<4x!tpu.dma_semaphore, #tpu.memory_space<semaphore_mem>> -> memref<1x!tpu.dma_semaphore, #tpu.memory_space<semaphore_mem>>
      %dma_start3A_207 = tpu.memref_squeeze %dma_start3A_206 : memref<1x!tpu.dma_semaphore, #tpu.memory_space<semaphore_mem>> -> memref<!tpu.dma_semaphore, #tpu.memory_space<semaphore_mem>>
      %dma_start3A_208 = arith.constant 0 : i32
      %dma_start3A_209 = tpu.memref_slice %arg4[%add3A_202, %dma_start3A_208] : memref<1000000x64xf32, #tpu.memory_space<hbm>> -> memref<240x64xf32, #tpu.memory_space<hbm>>
      tpu.enqueue_dma source(%arg7 : memref<240x64xf32, #tpu.memory_space<vmem>>) target(%dma_start3A_209 : memref<240x64xf32, #tpu.memory_space<hbm>>) target_semaphore(%dma_start3A_207 : memref<!tpu.dma_semaphore, #tpu.memory_space<semaphore_mem>>)
      %add3A_210 = arith.constant 2 : i32
      %add3A_211 = arith.addi %add3A_189, %add3A_210 : i32
      %lt3A_212 = arith.constant 128 : i32
      %lt3A_213 = arith.cmpi slt, %add3A_211, %lt3A_212 : i32
      %convert_element_type3A_214 = arith.extui %lt3A_213 : i1 to i32
      %cond3A_215 = arith.constant 0 : i32
      %cond3A_216 = arith.cmpi ne, %convert_element_type3A_214, %cond3A_215 : i32
      scf.if %cond3A_216 {
        %ge3A = arith.constant 4 : i32
        %ge3A_258 = arith.cmpi sge, %add3A_211, %ge3A : i32
        %convert_element_type3A_259 = arith.extui %ge3A_258 : i1 to i32
        %cond3A_260 = arith.constant 0 : i32
        %cond3A_261 = arith.cmpi ne, %convert_element_type3A_259, %cond3A_260 : i32
        scf.if %cond3A_261 {
          %sub3A = arith.constant 4 : i32
          %sub3A_272 = arith.subi %add3A_211, %sub3A : i32
          %mul3A_273 = arith.constant 240 : i32
          %mul3A_274 = arith.muli %sub3A_272, %mul3A_273 : i32
          %add3A_275 = arith.addi %add3A_6, %mul3A_274 : i32
          %dma_wait3A_276 = arith.constant 0 : i32
          %dma_wait3A_277 = arith.constant 0 : i32
          %dma_wait3A_278 = tpu.memref_slice %arg4[%add3A_275, %dma_wait3A_277] : memref<1000000x64xf32, #tpu.memory_space<hbm>> -> memref<240x64xf32, #tpu.memory_space<hbm>>
          %dma_wait3A_279 = tpu.memref_slice %arg10[%dma_wait3A_276] : memref<4x!tpu.dma_semaphore, #tpu.memory_space<semaphore_mem>> -> memref<1x!tpu.dma_semaphore, #tpu.memory_space<semaphore_mem>>
          %dma_wait3A_280 = tpu.memref_squeeze %dma_wait3A_279 : memref<1x!tpu.dma_semaphore, #tpu.memory_space<semaphore_mem>> -> memref<!tpu.dma_semaphore, #tpu.memory_space<semaphore_mem>>
          %dma_wait3A_281 = arith.constant 0 : i32
          %dma_wait3A_282 = tpu.memref_slice %arg4[%add3A_275, %dma_wait3A_281] : memref<1000000x64xf32, #tpu.memory_space<hbm>> -> memref<240x64xf32, #tpu.memory_space<hbm>>
          tpu.wait_dma2 semaphore(%dma_wait3A_280 : memref<!tpu.dma_semaphore, #tpu.memory_space<semaphore_mem>>) src(%arg5 : memref<240x64xf32, #tpu.memory_space<vmem>>) dst(%dma_wait3A_282 : memref<240x64xf32, #tpu.memory_space<hbm>>)
        } else {
        }
        %mul3A_262 = arith.constant 240 : i32
        %mul3A_263 = arith.muli %add3A_211, %mul3A_262 : i32
        %add3A_264 = arith.addi %mul3A_2, %mul3A_263 : i32
        %dma_start3A_265 = arith.constant 0 : i32
        %dma_start3A_266 = arith.constant 0 : i32
        %dma_start3A_267 = tpu.memref_slice %arg3[%add3A_264, %dma_start3A_266] : memref<1000000x64xf32, #tpu.memory_space<hbm>> -> memref<240x64xf32, #tpu.memory_space<hbm>>
        %dma_start3A_268 = tpu.memref_slice %arg9[%dma_start3A_265] : memref<4x!tpu.dma_semaphore, #tpu.memory_space<semaphore_mem>> -> memref<1x!tpu.dma_semaphore, #tpu.memory_space<semaphore_mem>>
        %dma_start3A_269 = tpu.memref_squeeze %dma_start3A_268 : memref<1x!tpu.dma_semaphore, #tpu.memory_space<semaphore_mem>> -> memref<!tpu.dma_semaphore, #tpu.memory_space<semaphore_mem>>
        %dma_start3A_270 = arith.constant 0 : i32
        %dma_start3A_271 = tpu.memref_slice %arg3[%add3A_264, %dma_start3A_270] : memref<1000000x64xf32, #tpu.memory_space<hbm>> -> memref<240x64xf32, #tpu.memory_space<hbm>>
        tpu.enqueue_dma source(%dma_start3A_271 : memref<240x64xf32, #tpu.memory_space<hbm>>) target(%arg5 : memref<240x64xf32, #tpu.memory_space<vmem>>) target_semaphore(%dma_start3A_269 : memref<!tpu.dma_semaphore, #tpu.memory_space<semaphore_mem>>)
      } else {
      }
      %eq3A_217 = arith.constant 128 : i32
      %eq3A_218 = arith.cmpi eq, %add3A_211, %eq3A_217 : i32
      %convert_element_type3A_219 = arith.extui %eq3A_218 : i1 to i32
      %cond3A_220 = arith.constant 0 : i32
      %cond3A_221 = arith.cmpi ne, %convert_element_type3A_219, %cond3A_220 : i32
      scf.if %cond3A_221 {
        %sub3A = arith.constant 4 : i32
        %sub3A_258 = arith.subi %add3A_211, %sub3A : i32
        %mul3A_259 = arith.constant 240 : i32
        %mul3A_260 = arith.muli %sub3A_258, %mul3A_259 : i32
        %add3A_261 = arith.addi %add3A_6, %mul3A_260 : i32
        %dma_wait3A_262 = arith.constant 0 : i32
        %dma_wait3A_263 = arith.constant 0 : i32
        %dma_wait3A_264 = tpu.memref_slice %arg4[%add3A_261, %dma_wait3A_263] : memref<1000000x64xf32, #tpu.memory_space<hbm>> -> memref<240x64xf32, #tpu.memory_space<hbm>>
        %dma_wait3A_265 = tpu.memref_slice %arg10[%dma_wait3A_262] : memref<4x!tpu.dma_semaphore, #tpu.memory_space<semaphore_mem>> -> memref<1x!tpu.dma_semaphore, #tpu.memory_space<semaphore_mem>>
        %dma_wait3A_266 = tpu.memref_squeeze %dma_wait3A_265 : memref<1x!tpu.dma_semaphore, #tpu.memory_space<semaphore_mem>> -> memref<!tpu.dma_semaphore, #tpu.memory_space<semaphore_mem>>
        %dma_wait3A_267 = arith.constant 0 : i32
        %dma_wait3A_268 = tpu.memref_slice %arg4[%add3A_261, %dma_wait3A_267] : memref<1000000x64xf32, #tpu.memory_space<hbm>> -> memref<240x64xf32, #tpu.memory_space<hbm>>
        tpu.wait_dma2 semaphore(%dma_wait3A_266 : memref<!tpu.dma_semaphore, #tpu.memory_space<semaphore_mem>>) src(%arg5 : memref<240x64xf32, #tpu.memory_space<vmem>>) dst(%dma_wait3A_268 : memref<240x64xf32, #tpu.memory_space<hbm>>)
        %add3A_269 = arith.constant 30720 : i32
        %add3A_270 = arith.addi %mul3A_2, %add3A_269 : i32
        %dma_start3A_271 = arith.constant 0 : i32
        %dma_start3A_272 = arith.constant 0 : i32
        %dma_start3A_273 = arith.constant 0 : i32
        %dma_start3A_274 = tpu.memref_slice %arg5[%dma_start3A_272, %dma_start3A_273] : memref<240x64xf32, #tpu.memory_space<vmem>> -> memref<16x64xf32, #tpu.memory_space<vmem>>
        %dma_start3A_275 = arith.constant 0 : i32
        %dma_start3A_276 = tpu.memref_slice %arg3[%add3A_270, %dma_start3A_275] : memref<1000000x64xf32, #tpu.memory_space<hbm>> -> memref<16x64xf32, #tpu.memory_space<hbm>>
        %dma_start3A_277 = tpu.memref_slice %arg9[%dma_start3A_271] : memref<4x!tpu.dma_semaphore, #tpu.memory_space<semaphore_mem>> -> memref<1x!tpu.dma_semaphore, #tpu.memory_space<semaphore_mem>>
        %dma_start3A_278 = tpu.memref_squeeze %dma_start3A_277 : memref<1x!tpu.dma_semaphore, #tpu.memory_space<semaphore_mem>> -> memref<!tpu.dma_semaphore, #tpu.memory_space<semaphore_mem>>
        %dma_start3A_279 = arith.constant 0 : i32
        %dma_start3A_280 = arith.constant 0 : i32
        %dma_start3A_281 = tpu.memref_slice %arg5[%dma_start3A_279, %dma_start3A_280] : memref<240x64xf32, #tpu.memory_space<vmem>> -> memref<16x64xf32, #tpu.memory_space<vmem>>
        %dma_start3A_282 = arith.constant 0 : i32
        %dma_start3A_283 = tpu.memref_slice %arg3[%add3A_270, %dma_start3A_282] : memref<1000000x64xf32, #tpu.memory_space<hbm>> -> memref<16x64xf32, #tpu.memory_space<hbm>>
        tpu.enqueue_dma source(%dma_start3A_283 : memref<16x64xf32, #tpu.memory_space<hbm>>) target(%dma_start3A_281 : memref<16x64xf32, #tpu.memory_space<vmem>>) target_semaphore(%dma_start3A_278 : memref<!tpu.dma_semaphore, #tpu.memory_space<semaphore_mem>>)
      } else {
      }
      %mul3A_222 = arith.constant 4 : i32
      %mul3A_223 = arith.muli %mul3A_222, %scan3A_114 : i32
      %add3A_224 = arith.constant 3 : i32
      %add3A_225 = arith.addi %mul3A_223, %add3A_224 : i32
      %mul3A_226 = arith.constant 240 : i32
      %mul3A_227 = arith.muli %add3A_225, %mul3A_226 : i32
      %add3A_228 = arith.addi %mul3A_2, %mul3A_227 : i32
      %dma_wait3A_229 = arith.constant 3 : i32
      %dma_wait3A_230 = arith.constant 0 : i32
      %dma_wait3A_231 = tpu.memref_slice %arg3[%add3A_228, %dma_wait3A_230] : memref<1000000x64xf32, #tpu.memory_space<hbm>> -> memref<240x64xf32, #tpu.memory_space<hbm>>
      %dma_wait3A_232 = tpu.memref_slice %arg9[%dma_wait3A_229] : memref<4x!tpu.dma_semaphore, #tpu.memory_space<semaphore_mem>> -> memref<1x!tpu.dma_semaphore, #tpu.memory_space<semaphore_mem>>
      %dma_wait3A_233 = tpu.memref_squeeze %dma_wait3A_232 : memref<1x!tpu.dma_semaphore, #tpu.memory_space<semaphore_mem>> -> memref<!tpu.dma_semaphore, #tpu.memory_space<semaphore_mem>>
      %dma_wait3A_234 = arith.constant 0 : i32
      %dma_wait3A_235 = tpu.memref_slice %arg3[%add3A_228, %dma_wait3A_234] : memref<1000000x64xf32, #tpu.memory_space<hbm>> -> memref<240x64xf32, #tpu.memory_space<hbm>>
      tpu.wait_dma2 semaphore(%dma_wait3A_233 : memref<!tpu.dma_semaphore, #tpu.memory_space<semaphore_mem>>) src(%dma_wait3A_235 : memref<240x64xf32, #tpu.memory_space<hbm>>) dst(%arg8 : memref<240x64xf32, #tpu.memory_space<vmem>>)
      %mul3A_236 = arith.constant 240 : i32
      %mul3A_237 = arith.muli %add3A_225, %mul3A_236 : i32
      %add3A_238 = arith.addi %add3A_6, %mul3A_237 : i32
      %dma_start3A_239 = arith.constant 3 : i32
      %dma_start3A_240 = arith.constant 0 : i32
      %dma_start3A_241 = tpu.memref_slice %arg4[%add3A_238, %dma_start3A_240] : memref<1000000x64xf32, #tpu.memory_space<hbm>> -> memref<240x64xf32, #tpu.memory_space<hbm>>
      %dma_start3A_242 = tpu.memref_slice %arg10[%dma_start3A_239] : memref<4x!tpu.dma_semaphore, #tpu.memory_space<semaphore_mem>> -> memref<1x!tpu.dma_semaphore, #tpu.memory_space<semaphore_mem>>
      %dma_start3A_243 = tpu.memref_squeeze %dma_start3A_242 : memref<1x!tpu.dma_semaphore, #tpu.memory_space<semaphore_mem>> -> memref<!tpu.dma_semaphore, #tpu.memory_space<semaphore_mem>>
      %dma_start3A_244 = arith.constant 0 : i32
      %dma_start3A_245 = tpu.memref_slice %arg4[%add3A_238, %dma_start3A_244] : memref<1000000x64xf32, #tpu.memory_space<hbm>> -> memref<240x64xf32, #tpu.memory_space<hbm>>
      tpu.enqueue_dma source(%arg8 : memref<240x64xf32, #tpu.memory_space<vmem>>) target(%dma_start3A_245 : memref<240x64xf32, #tpu.memory_space<hbm>>) target_semaphore(%dma_start3A_243 : memref<!tpu.dma_semaphore, #tpu.memory_space<semaphore_mem>>)
      %add3A_246 = arith.constant 2 : i32
      %add3A_247 = arith.addi %add3A_225, %add3A_246 : i32
      %lt3A_248 = arith.constant 128 : i32
      %lt3A_249 = arith.cmpi slt, %add3A_247, %lt3A_248 : i32
      %convert_element_type3A_250 = arith.extui %lt3A_249 : i1 to i32
      %cond3A_251 = arith.constant 0 : i32
      %cond3A_252 = arith.cmpi ne, %convert_element_type3A_250, %cond3A_251 : i32
      scf.if %cond3A_252 {
        %ge3A = arith.constant 4 : i32
        %ge3A_258 = arith.cmpi sge, %add3A_247, %ge3A : i32
        %convert_element_type3A_259 = arith.extui %ge3A_258 : i1 to i32
        %cond3A_260 = arith.constant 0 : i32
        %cond3A_261 = arith.cmpi ne, %convert_element_type3A_259, %cond3A_260 : i32
        scf.if %cond3A_261 {
          %sub3A = arith.constant 4 : i32
          %sub3A_272 = arith.subi %add3A_247, %sub3A : i32
          %mul3A_273 = arith.constant 240 : i32
          %mul3A_274 = arith.muli %sub3A_272, %mul3A_273 : i32
          %add3A_275 = arith.addi %add3A_6, %mul3A_274 : i32
          %dma_wait3A_276 = arith.constant 1 : i32
          %dma_wait3A_277 = arith.constant 0 : i32
          %dma_wait3A_278 = tpu.memref_slice %arg4[%add3A_275, %dma_wait3A_277] : memref<1000000x64xf32, #tpu.memory_space<hbm>> -> memref<240x64xf32, #tpu.memory_space<hbm>>
          %dma_wait3A_279 = tpu.memref_slice %arg10[%dma_wait3A_276] : memref<4x!tpu.dma_semaphore, #tpu.memory_space<semaphore_mem>> -> memref<1x!tpu.dma_semaphore, #tpu.memory_space<semaphore_mem>>
          %dma_wait3A_280 = tpu.memref_squeeze %dma_wait3A_279 : memref<1x!tpu.dma_semaphore, #tpu.memory_space<semaphore_mem>> -> memref<!tpu.dma_semaphore, #tpu.memory_space<semaphore_mem>>
          %dma_wait3A_281 = arith.constant 0 : i32
          %dma_wait3A_282 = tpu.memref_slice %arg4[%add3A_275, %dma_wait3A_281] : memref<1000000x64xf32, #tpu.memory_space<hbm>> -> memref<240x64xf32, #tpu.memory_space<hbm>>
          tpu.wait_dma2 semaphore(%dma_wait3A_280 : memref<!tpu.dma_semaphore, #tpu.memory_space<semaphore_mem>>) src(%arg6 : memref<240x64xf32, #tpu.memory_space<vmem>>) dst(%dma_wait3A_282 : memref<240x64xf32, #tpu.memory_space<hbm>>)
        } else {
        }
        %mul3A_262 = arith.constant 240 : i32
        %mul3A_263 = arith.muli %add3A_247, %mul3A_262 : i32
        %add3A_264 = arith.addi %mul3A_2, %mul3A_263 : i32
        %dma_start3A_265 = arith.constant 1 : i32
        %dma_start3A_266 = arith.constant 0 : i32
        %dma_start3A_267 = tpu.memref_slice %arg3[%add3A_264, %dma_start3A_266] : memref<1000000x64xf32, #tpu.memory_space<hbm>> -> memref<240x64xf32, #tpu.memory_space<hbm>>
        %dma_start3A_268 = tpu.memref_slice %arg9[%dma_start3A_265] : memref<4x!tpu.dma_semaphore, #tpu.memory_space<semaphore_mem>> -> memref<1x!tpu.dma_semaphore, #tpu.memory_space<semaphore_mem>>
        %dma_start3A_269 = tpu.memref_squeeze %dma_start3A_268 : memref<1x!tpu.dma_semaphore, #tpu.memory_space<semaphore_mem>> -> memref<!tpu.dma_semaphore, #tpu.memory_space<semaphore_mem>>
        %dma_start3A_270 = arith.constant 0 : i32
        %dma_start3A_271 = tpu.memref_slice %arg3[%add3A_264, %dma_start3A_270] : memref<1000000x64xf32, #tpu.memory_space<hbm>> -> memref<240x64xf32, #tpu.memory_space<hbm>>
        tpu.enqueue_dma source(%dma_start3A_271 : memref<240x64xf32, #tpu.memory_space<hbm>>) target(%arg6 : memref<240x64xf32, #tpu.memory_space<vmem>>) target_semaphore(%dma_start3A_269 : memref<!tpu.dma_semaphore, #tpu.memory_space<semaphore_mem>>)
      } else {
      }
      %eq3A_253 = arith.constant 128 : i32
      %eq3A_254 = arith.cmpi eq, %add3A_247, %eq3A_253 : i32
      %convert_element_type3A_255 = arith.extui %eq3A_254 : i1 to i32
      %cond3A_256 = arith.constant 0 : i32
      %cond3A_257 = arith.cmpi ne, %convert_element_type3A_255, %cond3A_256 : i32
      scf.if %cond3A_257 {
        %sub3A = arith.constant 4 : i32
        %sub3A_258 = arith.subi %add3A_247, %sub3A : i32
        %mul3A_259 = arith.constant 240 : i32
        %mul3A_260 = arith.muli %sub3A_258, %mul3A_259 : i32
        %add3A_261 = arith.addi %add3A_6, %mul3A_260 : i32
        %dma_wait3A_262 = arith.constant 1 : i32
        %dma_wait3A_263 = arith.constant 0 : i32
        %dma_wait3A_264 = tpu.memref_slice %arg4[%add3A_261, %dma_wait3A_263] : memref<1000000x64xf32, #tpu.memory_space<hbm>> -> memref<240x64xf32, #tpu.memory_space<hbm>>
        %dma_wait3A_265 = tpu.memref_slice %arg10[%dma_wait3A_262] : memref<4x!tpu.dma_semaphore, #tpu.memory_space<semaphore_mem>> -> memref<1x!tpu.dma_semaphore, #tpu.memory_space<semaphore_mem>>
        %dma_wait3A_266 = tpu.memref_squeeze %dma_wait3A_265 : memref<1x!tpu.dma_semaphore, #tpu.memory_space<semaphore_mem>> -> memref<!tpu.dma_semaphore, #tpu.memory_space<semaphore_mem>>
        %dma_wait3A_267 = arith.constant 0 : i32
        %dma_wait3A_268 = tpu.memref_slice %arg4[%add3A_261, %dma_wait3A_267] : memref<1000000x64xf32, #tpu.memory_space<hbm>> -> memref<240x64xf32, #tpu.memory_space<hbm>>
        tpu.wait_dma2 semaphore(%dma_wait3A_266 : memref<!tpu.dma_semaphore, #tpu.memory_space<semaphore_mem>>) src(%arg6 : memref<240x64xf32, #tpu.memory_space<vmem>>) dst(%dma_wait3A_268 : memref<240x64xf32, #tpu.memory_space<hbm>>)
        %add3A_269 = arith.constant 30720 : i32
        %add3A_270 = arith.addi %mul3A_2, %add3A_269 : i32
        %dma_start3A_271 = arith.constant 1 : i32
        %dma_start3A_272 = arith.constant 0 : i32
        %dma_start3A_273 = arith.constant 0 : i32
        %dma_start3A_274 = tpu.memref_slice %arg6[%dma_start3A_272, %dma_start3A_273] : memref<240x64xf32, #tpu.memory_space<vmem>> -> memref<16x64xf32, #tpu.memory_space<vmem>>
        %dma_start3A_275 = arith.constant 0 : i32
        %dma_start3A_276 = tpu.memref_slice %arg3[%add3A_270, %dma_start3A_275] : memref<1000000x64xf32, #tpu.memory_space<hbm>> -> memref<16x64xf32, #tpu.memory_space<hbm>>
        %dma_start3A_277 = tpu.memref_slice %arg9[%dma_start3A_271] : memref<4x!tpu.dma_semaphore, #tpu.memory_space<semaphore_mem>> -> memref<1x!tpu.dma_semaphore, #tpu.memory_space<semaphore_mem>>
        %dma_start3A_278 = tpu.memref_squeeze %dma_start3A_277 : memref<1x!tpu.dma_semaphore, #tpu.memory_space<semaphore_mem>> -> memref<!tpu.dma_semaphore, #tpu.memory_space<semaphore_mem>>
        %dma_start3A_279 = arith.constant 0 : i32
        %dma_start3A_280 = arith.constant 0 : i32
        %dma_start3A_281 = tpu.memref_slice %arg6[%dma_start3A_279, %dma_start3A_280] : memref<240x64xf32, #tpu.memory_space<vmem>> -> memref<16x64xf32, #tpu.memory_space<vmem>>
        %dma_start3A_282 = arith.constant 0 : i32
        %dma_start3A_283 = tpu.memref_slice %arg3[%add3A_270, %dma_start3A_282] : memref<1000000x64xf32, #tpu.memory_space<hbm>> -> memref<16x64xf32, #tpu.memory_space<hbm>>
        tpu.enqueue_dma source(%dma_start3A_283 : memref<16x64xf32, #tpu.memory_space<hbm>>) target(%dma_start3A_281 : memref<16x64xf32, #tpu.memory_space<vmem>>) target_semaphore(%dma_start3A_278 : memref<!tpu.dma_semaphore, #tpu.memory_space<semaphore_mem>>)
      } else {
      }
    }
    %scan3A_40 = arith.constant 32 : i32
    %add3A_41 = arith.constant 30720 : i32
    %add3A_42 = arith.addi %mul3A_2, %add3A_41 : i32
    %dma_wait3A = arith.constant 0 : i32
    %dma_wait3A_43 = arith.constant 0 : i32
    %dma_wait3A_44 = arith.constant 0 : i32
    %dma_wait3A_45 = tpu.memref_slice %arg5[%dma_wait3A_43, %dma_wait3A_44] : memref<240x64xf32, #tpu.memory_space<vmem>> -> memref<16x64xf32, #tpu.memory_space<vmem>>
    %dma_wait3A_46 = arith.constant 0 : i32
    %dma_wait3A_47 = tpu.memref_slice %arg3[%add3A_42, %dma_wait3A_46] : memref<1000000x64xf32, #tpu.memory_space<hbm>> -> memref<16x64xf32, #tpu.memory_space<hbm>>
    %dma_wait3A_48 = tpu.memref_slice %arg9[%dma_wait3A] : memref<4x!tpu.dma_semaphore, #tpu.memory_space<semaphore_mem>> -> memref<1x!tpu.dma_semaphore, #tpu.memory_space<semaphore_mem>>
    %dma_wait3A_49 = tpu.memref_squeeze %dma_wait3A_48 : memref<1x!tpu.dma_semaphore, #tpu.memory_space<semaphore_mem>> -> memref<!tpu.dma_semaphore, #tpu.memory_space<semaphore_mem>>
    %dma_wait3A_50 = arith.constant 0 : i32
    %dma_wait3A_51 = arith.constant 0 : i32
    %dma_wait3A_52 = tpu.memref_slice %arg5[%dma_wait3A_50, %dma_wait3A_51] : memref<240x64xf32, #tpu.memory_space<vmem>> -> memref<16x64xf32, #tpu.memory_space<vmem>>
    %dma_wait3A_53 = arith.constant 0 : i32
    %dma_wait3A_54 = tpu.memref_slice %arg3[%add3A_42, %dma_wait3A_53] : memref<1000000x64xf32, #tpu.memory_space<hbm>> -> memref<16x64xf32, #tpu.memory_space<hbm>>
    tpu.wait_dma2 semaphore(%dma_wait3A_49 : memref<!tpu.dma_semaphore, #tpu.memory_space<semaphore_mem>>) src(%dma_wait3A_54 : memref<16x64xf32, #tpu.memory_space<hbm>>) dst(%dma_wait3A_52 : memref<16x64xf32, #tpu.memory_space<vmem>>)
    %add3A_55 = arith.constant 30720 : i32
    %add3A_56 = arith.addi %add3A_6, %add3A_55 : i32
    %dma_start3A_57 = arith.constant 0 : i32
    %dma_start3A_58 = arith.constant 0 : i32
    %dma_start3A_59 = arith.constant 0 : i32
    %dma_start3A_60 = tpu.memref_slice %arg5[%dma_start3A_58, %dma_start3A_59] : memref<240x64xf32, #tpu.memory_space<vmem>> -> memref<16x64xf32, #tpu.memory_space<vmem>>
    %dma_start3A_61 = arith.constant 0 : i32
    %dma_start3A_62 = tpu.memref_slice %arg4[%add3A_56, %dma_start3A_61] : memref<1000000x64xf32, #tpu.memory_space<hbm>> -> memref<16x64xf32, #tpu.memory_space<hbm>>
    %dma_start3A_63 = tpu.memref_slice %arg10[%dma_start3A_57] : memref<4x!tpu.dma_semaphore, #tpu.memory_space<semaphore_mem>> -> memref<1x!tpu.dma_semaphore, #tpu.memory_space<semaphore_mem>>
    %dma_start3A_64 = tpu.memref_squeeze %dma_start3A_63 : memref<1x!tpu.dma_semaphore, #tpu.memory_space<semaphore_mem>> -> memref<!tpu.dma_semaphore, #tpu.memory_space<semaphore_mem>>
    %dma_start3A_65 = arith.constant 0 : i32
    %dma_start3A_66 = tpu.memref_slice %arg4[%add3A_56, %dma_start3A_65] : memref<1000000x64xf32, #tpu.memory_space<hbm>> -> memref<16x64xf32, #tpu.memory_space<hbm>>
    %dma_start3A_67 = arith.constant 0 : i32
    %dma_start3A_68 = arith.constant 0 : i32
    %dma_start3A_69 = tpu.memref_slice %arg5[%dma_start3A_67, %dma_start3A_68] : memref<240x64xf32, #tpu.memory_space<vmem>> -> memref<16x64xf32, #tpu.memory_space<vmem>>
    tpu.enqueue_dma source(%dma_start3A_69 : memref<16x64xf32, #tpu.memory_space<vmem>>) target(%dma_start3A_66 : memref<16x64xf32, #tpu.memory_space<hbm>>) target_semaphore(%dma_start3A_64 : memref<!tpu.dma_semaphore, #tpu.memory_space<semaphore_mem>>)
    %add3A_70 = arith.constant 30000 : i32
    %add3A_71 = arith.addi %add3A_6, %add3A_70 : i32
    %dma_wait3A_72 = arith.constant 1 : i32
    %dma_wait3A_73 = arith.constant 0 : i32
    %dma_wait3A_74 = tpu.memref_slice %arg4[%add3A_71, %dma_wait3A_73] : memref<1000000x64xf32, #tpu.memory_space<hbm>> -> memref<240x64xf32, #tpu.memory_space<hbm>>
    %dma_wait3A_75 = tpu.memref_slice %arg10[%dma_wait3A_72] : memref<4x!tpu.dma_semaphore, #tpu.memory_space<semaphore_mem>> -> memref<1x!tpu.dma_semaphore, #tpu.memory_space<semaphore_mem>>
    %dma_wait3A_76 = tpu.memref_squeeze %dma_wait3A_75 : memref<1x!tpu.dma_semaphore, #tpu.memory_space<semaphore_mem>> -> memref<!tpu.dma_semaphore, #tpu.memory_space<semaphore_mem>>
    %dma_wait3A_77 = arith.constant 0 : i32
    %dma_wait3A_78 = tpu.memref_slice %arg4[%add3A_71, %dma_wait3A_77] : memref<1000000x64xf32, #tpu.memory_space<hbm>> -> memref<240x64xf32, #tpu.memory_space<hbm>>
    tpu.wait_dma2 semaphore(%dma_wait3A_76 : memref<!tpu.dma_semaphore, #tpu.memory_space<semaphore_mem>>) src(%arg6 : memref<240x64xf32, #tpu.memory_space<vmem>>) dst(%dma_wait3A_78 : memref<240x64xf32, #tpu.memory_space<hbm>>)
    %add3A_79 = arith.constant 30240 : i32
    %add3A_80 = arith.addi %add3A_6, %add3A_79 : i32
    %dma_wait3A_81 = arith.constant 2 : i32
    %dma_wait3A_82 = arith.constant 0 : i32
    %dma_wait3A_83 = tpu.memref_slice %arg4[%add3A_80, %dma_wait3A_82] : memref<1000000x64xf32, #tpu.memory_space<hbm>> -> memref<240x64xf32, #tpu.memory_space<hbm>>
    %dma_wait3A_84 = tpu.memref_slice %arg10[%dma_wait3A_81] : memref<4x!tpu.dma_semaphore, #tpu.memory_space<semaphore_mem>> -> memref<1x!tpu.dma_semaphore, #tpu.memory_space<semaphore_mem>>
    %dma_wait3A_85 = tpu.memref_squeeze %dma_wait3A_84 : memref<1x!tpu.dma_semaphore, #tpu.memory_space<semaphore_mem>> -> memref<!tpu.dma_semaphore, #tpu.memory_space<semaphore_mem>>
    %dma_wait3A_86 = arith.constant 0 : i32
    %dma_wait3A_87 = tpu.memref_slice %arg4[%add3A_80, %dma_wait3A_86] : memref<1000000x64xf32, #tpu.memory_space<hbm>> -> memref<240x64xf32, #tpu.memory_space<hbm>>
    tpu.wait_dma2 semaphore(%dma_wait3A_85 : memref<!tpu.dma_semaphore, #tpu.memory_space<semaphore_mem>>) src(%arg7 : memref<240x64xf32, #tpu.memory_space<vmem>>) dst(%dma_wait3A_87 : memref<240x64xf32, #tpu.memory_space<hbm>>)
    %add3A_88 = arith.constant 30480 : i32
    %add3A_89 = arith.addi %add3A_6, %add3A_88 : i32
    %dma_wait3A_90 = arith.constant 3 : i32
    %dma_wait3A_91 = arith.constant 0 : i32
    %dma_wait3A_92 = tpu.memref_slice %arg4[%add3A_89, %dma_wait3A_91] : memref<1000000x64xf32, #tpu.memory_space<hbm>> -> memref<240x64xf32, #tpu.memory_space<hbm>>
    %dma_wait3A_93 = tpu.memref_slice %arg10[%dma_wait3A_90] : memref<4x!tpu.dma_semaphore, #tpu.memory_space<semaphore_mem>> -> memref<1x!tpu.dma_semaphore, #tpu.memory_space<semaphore_mem>>
    %dma_wait3A_94 = tpu.memref_squeeze %dma_wait3A_93 : memref<1x!tpu.dma_semaphore, #tpu.memory_space<semaphore_mem>> -> memref<!tpu.dma_semaphore, #tpu.memory_space<semaphore_mem>>
    %dma_wait3A_95 = arith.constant 0 : i32
    %dma_wait3A_96 = tpu.memref_slice %arg4[%add3A_89, %dma_wait3A_95] : memref<1000000x64xf32, #tpu.memory_space<hbm>> -> memref<240x64xf32, #tpu.memory_space<hbm>>
    tpu.wait_dma2 semaphore(%dma_wait3A_94 : memref<!tpu.dma_semaphore, #tpu.memory_space<semaphore_mem>>) src(%arg8 : memref<240x64xf32, #tpu.memory_space<vmem>>) dst(%dma_wait3A_96 : memref<240x64xf32, #tpu.memory_space<hbm>>)
    %add3A_97 = arith.constant 30720 : i32
    %add3A_98 = arith.addi %add3A_6, %add3A_97 : i32
    %dma_wait3A_99 = arith.constant 0 : i32
    %dma_wait3A_100 = arith.constant 0 : i32
    %dma_wait3A_101 = arith.constant 0 : i32
    %dma_wait3A_102 = tpu.memref_slice %arg5[%dma_wait3A_100, %dma_wait3A_101] : memref<240x64xf32, #tpu.memory_space<vmem>> -> memref<16x64xf32, #tpu.memory_space<vmem>>
    %dma_wait3A_103 = arith.constant 0 : i32
    %dma_wait3A_104 = tpu.memref_slice %arg4[%add3A_98, %dma_wait3A_103] : memref<1000000x64xf32, #tpu.memory_space<hbm>> -> memref<16x64xf32, #tpu.memory_space<hbm>>
    %dma_wait3A_105 = tpu.memref_slice %arg10[%dma_wait3A_99] : memref<4x!tpu.dma_semaphore, #tpu.memory_space<semaphore_mem>> -> memref<1x!tpu.dma_semaphore, #tpu.memory_space<semaphore_mem>>
    %dma_wait3A_106 = tpu.memref_squeeze %dma_wait3A_105 : memref<1x!tpu.dma_semaphore, #tpu.memory_space<semaphore_mem>> -> memref<!tpu.dma_semaphore, #tpu.memory_space<semaphore_mem>>
    %dma_wait3A_107 = arith.constant 0 : i32
    %dma_wait3A_108 = tpu.memref_slice %arg4[%add3A_98, %dma_wait3A_107] : memref<1000000x64xf32, #tpu.memory_space<hbm>> -> memref<16x64xf32, #tpu.memory_space<hbm>>
    %dma_wait3A_109 = arith.constant 0 : i32
    %dma_wait3A_110 = arith.constant 0 : i32
    %dma_wait3A_111 = tpu.memref_slice %arg5[%dma_wait3A_109, %dma_wait3A_110] : memref<240x64xf32, #tpu.memory_space<vmem>> -> memref<16x64xf32, #tpu.memory_space<vmem>>
    tpu.wait_dma2 semaphore(%dma_wait3A_106 : memref<!tpu.dma_semaphore, #tpu.memory_space<semaphore_mem>>) src(%dma_wait3A_111 : memref<16x64xf32, #tpu.memory_space<vmem>>) dst(%dma_wait3A_108 : memref<16x64xf32, #tpu.memory_space<hbm>>)
    %eq3A = arith.constant 0 : i32
    %eq3A_112 = arith.cmpi eq, %add3A, %eq3A : i32
    %convert_element_type3A = arith.extui %eq3A_112 : i1 to i32
    %cond3A = arith.constant 0 : i32
    %cond3A_113 = arith.cmpi ne, %convert_element_type3A, %cond3A : i32
    scf.if %cond3A_113 {
      "tpu.region"() ({
        %run_scoped3A = tpu.sem_alloc : memref<!tpu.dma_semaphore, #tpu.memory_space<semaphore_mem>>
        %dma_start3A_114 = arith.constant 0 : i32
        %dma_start3A_115 = arith.constant 0 : i32
        %dma_start3A_116 = tpu.memref_slice %arg5[%dma_start3A_114, %dma_start3A_115] : memref<240x64xf32, #tpu.memory_space<vmem>> -> memref<64x64xf32, #tpu.memory_space<vmem>>
        %dma_start3A_117 = arith.constant 983552 : i32
        %dma_start3A_118 = arith.constant 0 : i32
        %dma_start3A_119 = tpu.memref_slice %arg3[%dma_start3A_117, %dma_start3A_118] : memref<1000000x64xf32, #tpu.memory_space<hbm>> -> memref<64x64xf32, #tpu.memory_space<hbm>>
        %dma_start3A_120 = arith.constant 0 : i32
        %dma_start3A_121 = arith.constant 0 : i32
        %dma_start3A_122 = tpu.memref_slice %arg5[%dma_start3A_120, %dma_start3A_121] : memref<240x64xf32, #tpu.memory_space<vmem>> -> memref<64x64xf32, #tpu.memory_space<vmem>>
        %dma_start3A_123 = arith.constant 983552 : i32
        %dma_start3A_124 = arith.constant 0 : i32
        %dma_start3A_125 = tpu.memref_slice %arg3[%dma_start3A_123, %dma_start3A_124] : memref<1000000x64xf32, #tpu.memory_space<hbm>> -> memref<64x64xf32, #tpu.memory_space<hbm>>
        tpu.enqueue_dma source(%dma_start3A_125 : memref<64x64xf32, #tpu.memory_space<hbm>>) target(%dma_start3A_122 : memref<64x64xf32, #tpu.memory_space<vmem>>) target_semaphore(%run_scoped3A : memref<!tpu.dma_semaphore, #tpu.memory_space<semaphore_mem>>)
        %dma_wait3A_126 = arith.constant 0 : i32
        %dma_wait3A_127 = arith.constant 0 : i32
        %dma_wait3A_128 = tpu.memref_slice %arg5[%dma_wait3A_126, %dma_wait3A_127] : memref<240x64xf32, #tpu.memory_space<vmem>> -> memref<64x64xf32, #tpu.memory_space<vmem>>
        %dma_wait3A_129 = arith.constant 983552 : i32
        %dma_wait3A_130 = arith.constant 0 : i32
        %dma_wait3A_131 = tpu.memref_slice %arg3[%dma_wait3A_129, %dma_wait3A_130] : memref<1000000x64xf32, #tpu.memory_space<hbm>> -> memref<64x64xf32, #tpu.memory_space<hbm>>
        %dma_wait3A_132 = arith.constant 0 : i32
        %dma_wait3A_133 = arith.constant 0 : i32
        %dma_wait3A_134 = tpu.memref_slice %arg5[%dma_wait3A_132, %dma_wait3A_133] : memref<240x64xf32, #tpu.memory_space<vmem>> -> memref<64x64xf32, #tpu.memory_space<vmem>>
        %dma_wait3A_135 = arith.constant 983552 : i32
        %dma_wait3A_136 = arith.constant 0 : i32
        %dma_wait3A_137 = tpu.memref_slice %arg3[%dma_wait3A_135, %dma_wait3A_136] : memref<1000000x64xf32, #tpu.memory_space<hbm>> -> memref<64x64xf32, #tpu.memory_space<hbm>>
        tpu.wait_dma2 semaphore(%run_scoped3A : memref<!tpu.dma_semaphore, #tpu.memory_space<semaphore_mem>>) src(%dma_wait3A_137 : memref<64x64xf32, #tpu.memory_space<hbm>>) dst(%dma_wait3A_134 : memref<64x64xf32, #tpu.memory_space<vmem>>)
        tpu.yield
      }) : () -> ()
      "tpu.region"() ({
        %run_scoped3A = tpu.sem_alloc : memref<!tpu.dma_semaphore, #tpu.memory_space<semaphore_mem>>
        %dma_start3A_114 = arith.constant 0 : i32
        %dma_start3A_115 = arith.constant 0 : i32
        %dma_start3A_116 = tpu.memref_slice %arg5[%dma_start3A_114, %dma_start3A_115] : memref<240x64xf32, #tpu.memory_space<vmem>> -> memref<64x64xf32, #tpu.memory_space<vmem>>
        %dma_start3A_117 = arith.constant 999936 : i32
        %dma_start3A_118 = arith.constant 0 : i32
        %dma_start3A_119 = tpu.memref_slice %arg4[%dma_start3A_117, %dma_start3A_118] : memref<1000000x64xf32, #tpu.memory_space<hbm>> -> memref<64x64xf32, #tpu.memory_space<hbm>>
        %dma_start3A_120 = arith.constant 999936 : i32
        %dma_start3A_121 = arith.constant 0 : i32
        %dma_start3A_122 = tpu.memref_slice %arg4[%dma_start3A_120, %dma_start3A_121] : memref<1000000x64xf32, #tpu.memory_space<hbm>> -> memref<64x64xf32, #tpu.memory_space<hbm>>
        %dma_start3A_123 = arith.constant 0 : i32
        %dma_start3A_124 = arith.constant 0 : i32
        %dma_start3A_125 = tpu.memref_slice %arg5[%dma_start3A_123, %dma_start3A_124] : memref<240x64xf32, #tpu.memory_space<vmem>> -> memref<64x64xf32, #tpu.memory_space<vmem>>
        tpu.enqueue_dma source(%dma_start3A_125 : memref<64x64xf32, #tpu.memory_space<vmem>>) target(%dma_start3A_122 : memref<64x64xf32, #tpu.memory_space<hbm>>) target_semaphore(%run_scoped3A : memref<!tpu.dma_semaphore, #tpu.memory_space<semaphore_mem>>)
        %dma_wait3A_126 = arith.constant 0 : i32
        %dma_wait3A_127 = arith.constant 0 : i32
        %dma_wait3A_128 = tpu.memref_slice %arg5[%dma_wait3A_126, %dma_wait3A_127] : memref<240x64xf32, #tpu.memory_space<vmem>> -> memref<64x64xf32, #tpu.memory_space<vmem>>
        %dma_wait3A_129 = arith.constant 999936 : i32
        %dma_wait3A_130 = arith.constant 0 : i32
        %dma_wait3A_131 = tpu.memref_slice %arg4[%dma_wait3A_129, %dma_wait3A_130] : memref<1000000x64xf32, #tpu.memory_space<hbm>> -> memref<64x64xf32, #tpu.memory_space<hbm>>
        %dma_wait3A_132 = arith.constant 999936 : i32
        %dma_wait3A_133 = arith.constant 0 : i32
        %dma_wait3A_134 = tpu.memref_slice %arg4[%dma_wait3A_132, %dma_wait3A_133] : memref<1000000x64xf32, #tpu.memory_space<hbm>> -> memref<64x64xf32, #tpu.memory_space<hbm>>
        %dma_wait3A_135 = arith.constant 0 : i32
        %dma_wait3A_136 = arith.constant 0 : i32
        %dma_wait3A_137 = tpu.memref_slice %arg5[%dma_wait3A_135, %dma_wait3A_136] : memref<240x64xf32, #tpu.memory_space<vmem>> -> memref<64x64xf32, #tpu.memory_space<vmem>>
        tpu.wait_dma2 semaphore(%run_scoped3A : memref<!tpu.dma_semaphore, #tpu.memory_space<semaphore_mem>>) src(%dma_wait3A_137 : memref<64x64xf32, #tpu.memory_space<vmem>>) dst(%dma_wait3A_134 : memref<64x64xf32, #tpu.memory_space<hbm>>)
        tpu.yield
      }) : () -> ()
    } else {
    }
    return
  }
}

module attributes {stable_mosaic.version = 14 : i64} {
  func.func @_idx_body(%arg0: i32, %arg1: memref<16384xi32, #tpu.memory_space<vmem>>, %arg2: memref<16384xi32, #tpu.memory_space<vmem>>, %arg3: memref<16384xi32, #tpu.memory_space<vmem>>) attributes {dimension_semantics = [#tpu.dimension_semantics<arbitrary>], iteration_bounds = array<i64: 62>, scalar_prefetch = 0 : i64, scratch_operands = 0 : i64, tpu.core_type = #tpu.core_type<tc>, window_params = [{pipeline_mode = #tpu.pipeline_mode<synchronous>, transform_indices = @transform_0, window_bounds = array<i64: 16384>}, {transform_indices = @transform_1, window_bounds = array<i64: 16384>}, {transform_indices = @transform_2, window_bounds = array<i64: 16384>}]} {
    %eq3A = arith.constant 0 : i32
    %eq3A_0 = arith.cmpi eq, %arg0, %eq3A : i32
    %convert_element_type3A = arith.extui %eq3A_0 : i1 to i32
    %cond3A = arith.constant 0 : i32
    %cond3A_1 = arith.cmpi ne, %convert_element_type3A, %cond3A : i32
    scf.if %cond3A_1 {
      %get3A = arith.constant 0 : index
      %get3A_6 = vector.load %arg1[%get3A] : memref<16384xi32, #tpu.memory_space<vmem>>, vector<16384xi32>
      %swap3A = arith.constant 0 : index
      %swap3A_7 = vector.load %arg3[%swap3A] : memref<16384xi32, #tpu.memory_space<vmem>>, vector<16384xi32>
      tpu.vector_store %arg3[%swap3A], %get3A_6 {strides = array<i32>} : memref<16384xi32, #tpu.memory_space<vmem>>, vector<16384xi32>,
    } else {
    }
    %gt3A = arith.constant 0 : i32
    %gt3A_2 = arith.cmpi sgt, %arg0, %gt3A : i32
    %convert_element_type3A_3 = arith.extui %gt3A_2 : i1 to i32
    %cond3A_4 = arith.constant 0 : i32
    %cond3A_5 = arith.cmpi ne, %convert_element_type3A_3, %cond3A_4 : i32
    scf.if %cond3A_5 {
      %get3A = arith.constant 0 : index
      %get3A_6 = vector.load %arg2[%get3A] : memref<16384xi32, #tpu.memory_space<vmem>>, vector<16384xi32>
      %swap3A = arith.constant 0 : index
      %swap3A_7 = vector.load %arg3[%swap3A] : memref<16384xi32, #tpu.memory_space<vmem>>, vector<16384xi32>
      tpu.vector_store %arg3[%swap3A], %get3A_6 {strides = array<i32>} : memref<16384xi32, #tpu.memory_space<vmem>>, vector<16384xi32>,
    } else {
    }
    return
  }
  func.func @transform_0(%arg0: i32) -> i32 {
    %c0_i32 = arith.constant 0 : i32
    %c0_i32_0 = arith.constant 0 : i32
    return %c0_i32 : i32
  }
  func.func @transform_1(%arg0: i32) -> i32 {
    %sub3A = arith.constant 1 : i32
    %sub3A_0 = arith.subi %arg0, %sub3A : i32
    %max3A = arith.constant 0 : i32
    %max3A_1 = arith.maxsi %sub3A_0, %max3A : i32
    %c0_i32 = arith.constant 0 : i32
    return %max3A_1 : i32
  }
  func.func @transform_2(%arg0: i32) -> i32 {
    %c0_i32 = arith.constant 0 : i32
    return %arg0 : i32
  }
}

</mosaic_0001>

<sc_bundles>
// kernel: kernel.4.cloned.1.call-start
scs
__scs_entry_jumppad:
0x0: {  	(pc) =	sbr.rel $0x88, $3  }
0x1: {  	(tag) =	ssettag $0x0;
	lr =	simm.s32 $0x1  }
0x2: {  	[smem:$0x3F9D] =	sst lr;
	_ =	strace $0xD0000000  }
0x3: {  	_ = 	snop  }
0x4: {  	_ = 	snop  }
0x5: {  	_ = 	snop  }
0x6: {  	_ = 	snop  }
0x7: {  	_ = 	snop  }
__scs_overlays_trampoline_lowered:
0x8: {  	[smem:$0x3FAC] =	sst s0  }
0x9: {  	[smem:$0x3FAD] =	sst s1  }
0xa: {  	[smem:$0x3FAE] =	sst s2  }
0xb: {  	[smem:$0x3FAF] =	sst s3  }
0xc: {  	[smem:$0x3FB0] =	sst s4  }
0xd: {  	[smem:$0x3FB1] =	sst s5  }
0xe: {  	[smem:$0x3FB2] =	sst s6  }
0xf: {  	[smem:$0x3FB3] =	sst s7  }
0x10: {  	[smem:$0x3FB4] =	sst s8  }
0x11: {  	[smem:$0x3FB5] =	sst s9;
	s0 =	simm.s32 @!p0 $0x0  }
0x12: {  	s1 =	sld [smem:$0x3F9B];
	s0 =	simm.s32 @p0 $0x1  }
0x13: {  	[smem:$0x3FB6] =	sst s0;
	s0 =	simm.s32 @!p1 $0x0  }
0x14: {  	s2 =	sld [smem:$0x3F9A];
	s0 =	simm.s32 @p1 $0x1  }
0x15: {  	[smem:$0x3FB7] =	sst s0;
	s0 =	simm.s32 @!p2 $0x0  }
0x16: {  	s3 =	sld [smem:$0x3FDB];
	s0 =	simm.s32 @p2 $0x1  }
0x17: {  	s4 =	simm.s32 $0x1BF5;
	[smem:$0x3FB9] =	sst s0  }
0x18: {  	s0 =	sld [smem:$0x3F9C];
	_ =	swait.ge [sflag:s4], $0x0  }
0x19: {  	s7 =	sld [smem:$0x3F9D]  }
0x1a: {  	s8 =	sadd.s32 $0xFFFFE003, lr  }
0x1b: {  	s9 =	sadd.s32 $0xFFFFFEF7, lr;
	s5 =	simm.s32 $0xFFFFFFFF;
	p2 =	slt.u32 s8, $0xFFFFF086  }
0x1c: {  	p1 =	slt.u32 s9, $0xF7A;
	s5 =	simm.s32 @!p2 $0x0  }
0x1d: {  	s5 =	simm.s32 @p1 $0x1;
	p0 =	seq.s32 s7, s2  }
0x1e: {  	s7 =	smul.u32 @!p0 $0xF7A, s2;
	p2 =	seq.s32 @!p0 s5, $0x0  }
0x1f: {  	s9 =	smul.u32 $0xF7A, s1;
	s8 =	simm.s32 @!p0 $0x1BF5;
	p2 =	por !p2, p0  }
0x20: {  	[sflag:s8] =	ssyncset.s32 @!p0 $0xFFFFF086;
	s6 =	sadd.s32 @!p0 s3, s7;
	s7 =	simm.s32 @!p0 $0x108  }
0x21: {  	s3 =	sadd.s32 s3, s9;
	s6 =	sadd.s32 @!p0 $0x88, s6;
	s7 =	simm.s32 @p2 $0x1082  }
0x22: {  	[simem:s7], [sflag:s8] =	dma.local @!p0 [hbm:s6], $0xF7A  }
0x23: {  	s9 =	sor.u32 $0xD0000000, s2;
	s6 =	simm.s32 $0x108;
	_ =	swait.ge @!p0 [sflag:s8], $0x0  }
0x24: {  	s3 =	sadd.s32 $0x88, s3;
	s6 =	simm.s32 @!p1 $0x1082;
	[sflag:s4] =	ssyncset.s32 $0xFFFFF086  }
0x25: {  	[simem:s6], [sflag:s4] =	dma.local [hbm:s3], $0xF7A  }
0x26: {  	[smem:$0x3F9D] =	sst s1;
	(tag) =	ssettag s2;
	_ =	strace s9  }
0x27: {  	s1 =	sld [smem:$0x3FAD]  }
0x28: {  	s2 =	sld [smem:$0x3FAE]  }
0x29: {  	s4 =	sld [smem:$0x3FB0]  }
0x2a: {  	p0 =	seq.s32 s5, $0x0;
	s5 =	sld [smem:$0x3FB1]  }
0x2b: {  	s6 =	sld [smem:$0x3FB2]  }
0x2c: {  	s7 =	sld [smem:$0x3FB3]  }
0x2d: {  	s3 =	simm.s32 $0x108;
	s8 =	sld [smem:$0x3FB4]  }
0x2e: {  	s3 =	simm.s32 @!p0 $0x1082;
	s9 =	sld [smem:$0x3FB5]  }
0x2f: {  	lr =	sadd.s32 s0, s3;
	s0 =	sld [smem:$0x3FAC]  }
0x30: {  	s3 =	sld [smem:$0x3FAF]  }
0x31: {  	[smem:$0x3FB8] =	sst s10  }
0x32: {  	s10 =	sld [smem:$0x3FB6];
	_ =	sdelay $0x3  }
0x33: {  	p0 =	seq.s32 s10, $0x1;
	s10 =	sld [smem:$0x3FB8];
	_ =	sdelay $0x3  }
0x34: {  	[smem:$0x3FB8] =	sst s10  }
0x35: {  	s10 =	sld [smem:$0x3FB7];
	_ =	sdelay $0x3  }
0x36: {  	p1 =	seq.s32 s10, $0x1;
	s10 =	sld [smem:$0x3FB8];
	_ =	sdelay $0x3  }
0x37: {  	[smem:$0x3FB8] =	sst s10  }
0x38: {  	s10 =	sld [smem:$0x3FB9]  }
0x39: {  	_ = 	snop;
	(pc) =	sbr.ind lr, $3  }
0x3a: {  	_ = 	snop  }
0x3b: {  	_ = 	snop  }
0x3c: {  	p2 =	seq.s32 s10, $0x1;
	s10 =	sld [smem:$0x3FB8]  }
0x3d: {  	_ =	shalt  }
0x3e: {  	_ =	shalt  }
0x3f: {  	_ =	shalt  }
0x40: {  	_ =	shalt  }
0x41: {  	_ =	shalt  }
0x42: {  	_ =	shalt  }
0x43: {  	_ =	shalt  }
0x44: {  	_ =	shalt  }
0x45: {  	_ =	shalt  }
0x46: {  	_ =	shalt  }
0x47: {  	_ =	shalt  }
0x48: {  	_ =	shalt  }
0x49: {  	_ =	shalt  }
0x4a: {  	_ =	shalt  }
0x4b: {  	_ =	shalt  }
0x4c: {  	_ =	shalt  }
0x4d: {  	_ =	shalt  }
0x4e: {  	_ =	shalt  }
0x4f: {  	_ =	shalt  }
0x50: {  	_ =	shalt  }
0x51: {  	_ =	shalt  }
0x52: {  	_ =	shalt  }
0x53: {  	_ =	shalt  }
0x54: {  	_ =	shalt  }
0x55: {  	_ =	shalt  }
0x56: {  	_ =	shalt  }
0x57: {  	_ =	shalt  }
0x58: {  	_ =	shalt  }
0x59: {  	_ =	shalt  }
0x5a: {  	_ =	shalt  }
0x5b: {  	_ =	shalt  }
0x5c: {  	_ =	shalt  }
0x5d: {  	_ =	shalt  }
0x5e: {  	_ =	shalt  }
0x5f: {  	_ =	shalt  }
0x60: {  	_ =	shalt  }
0x61: {  	_ =	shalt  }
0x62: {  	_ =	shalt  }
0x63: {  	_ =	shalt  }
0x64: {  	_ =	shalt  }
0x65: {  	_ =	shalt  }
0x66: {  	_ =	shalt  }
0x67: {  	_ =	shalt  }
0x68: {  	_ =	shalt  }
0x69: {  	_ =	shalt  }
0x6a: {  	_ =	shalt  }
0x6b: {  	_ =	shalt  }
0x6c: {  	_ =	shalt  }
0x6d: {  	_ =	shalt  }
0x6e: {  	_ =	shalt  }
0x6f: {  	_ =	shalt  }
0x70: {  	_ =	shalt  }
0x71: {  	_ =	shalt  }
0x72: {  	_ =	shalt  }
0x73: {  	_ =	shalt  }
0x74: {  	_ =	shalt  }
0x75: {  	_ =	shalt  }
0x76: {  	_ =	shalt  }
0x77: {  	_ =	shalt  }
0x78: {  	_ =	shalt  }
0x79: {  	_ =	shalt  }
0x7a: {  	_ =	shalt  }
0x7b: {  	_ =	shalt  }
0x7c: {  	_ =	shalt  }
0x7d: {  	_ =	shalt  }
0x7e: {  	_ =	shalt  }
0x7f: {  	_ =	shalt  }
0x80: {  	_ =	shalt  }
0x81: {  	_ =	shalt  }
0x82: {  	_ =	shalt  }
0x83: {  	_ =	shalt  }
0x84: {  	_ =	shalt  }
0x85: {  	_ =	shalt  }
0x86: {  	_ =	shalt  }
0x87: {  	_ =	shalt  }
.Lfunc_end0:
.L_simem_size_0:
called_computation_lowered:
.L_overlay_start_0:
0x88: {  	s2 =	sld [smem:$0x3FD9]  }
0x89: {  	s3 =	sld [smem:$0x3FFE];
	_ =	sdelay $0x1  }
0x8a: {  	s1 =	srdreg.scid  }
0x8b: {  	s0 =	sand.u32 $0x1, s1  }
0x8c: {  	s14 =	sshll.u32 s0, $0xA;
	s2 =	sadd.s32 s3, s2  }
0x8d: {  	s2 =	sadd.s32 s2, s14  }
0x8e: {  	[smem:$0x3FC4] =	sst s2  }
0x8f: {  	_ = 	snop  }
0x90: {  	s2 =	sld [smem:$0x3FD0];
	_ =	sdelay $0x2  }
0x91: {  	s15 =	simm.s32 $0xA;
	s4 =	simm.s32 $0x10  }
0x92: {  	[smem:s4], [sflag:s15] =	dma.local [hbm:s2], $0x1  }
0x93: {  	_ =	swait.eq [sflag:s15], $0x1  }
0x94: {  	[sflag:s15] =	ssyncset.done $0x0  }
0x95: {  	[sflag:s15] =	ssyncadd.s32 $0xFFFFFFFF  }
0x96: {  	s16 =	sld [smem:$0x10];
	(tm) =	ssettm $0x1  }
0x97: {  	s17 =	sld [smem:$0x3FFB];
	_ =	sdelay $0x3  }
0x98: {  	_ =	strace s17  }
0x99: {  	s3 =	sld [smem:$0x3FFC];
	_ =	sdelay $0x3  }
0x9a: {  	_ =	strace s3  }
0x9b: {  	s3 =	sld [smem:$0x3FFD];
	_ =	sdelay $0x3  }
0x9c: {  	_ =	strace s3  }
0x9d: {  	_ =	strace $0x8FFFFFFF  }
0x9e: {  	s18 =	sld [smem:$0x3FDB];
	_ =	sdelay $0x1  }
0x9f: {  	s19 =	simm.s32 $_scs_section_size  }
0xa0: {  	s5 =	simm.s32 $_size__tile_overlayer_lowered;
	s6 =	simm.s32 $_tile_overlayer_lowered  }
0xa1: {  	s22 =	simm.s32 $0x1BFF;
	s21 =	sshll.u32 s6, $0x1;
	s3 =	sadd.s32 s19, s18  }
0xa2: {  	s7 =	simm.s32 $0x0;
	s20 =	sshll.u32 s5, $0x1;
	s5 =	sadd.s32 s21, s3  }
0xa3: {  	[timem:s7], [sflag:s22] =	dma.local [hbm:s5], s20  }
0xa4: {  	_ =	swait.ge [sflag:s22], s20  }
0xa5: {  	s4 =	ssub.s32 $0x0, s20;
	[sflag:s22] =	ssyncset.done $0x0  }
0xa6: {  	[sflag:s22] =	ssyncadd.s32 s4;
	_ =	sdelay $0x1  }
0xa7: {  	s23 =	simm.s32 $0x1B8B  }
0xa8: {  	_ =	swait.ge [sflag:s23], $0x1  }
0xa9: {  	[sflag:s23] =	ssyncset.done $0x0  }
0xaa: {  	s25 =	simm.s32 $0x1B8E;
	s24 =	sld [smem:$0x3FFE];
	[sflag:s23] =	ssyncadd.s32 $0xFFFFFFFF  }
0xab: {  	s26 =	simm.s32 $execute0_lowered;
	[smem:$0x3FD2] =	sst s25  }
0xac: {  	s5 =	sshll.u32 s26, $0x1;
	_ =	strace $0x80000046;
	[dreg:$0x1] =	wrdreg $0xFFFFFFFF  }
0xad: {  	s28 =	simm.s32 $_size_execute0_lowered;
	s3 =	sadd.s32 s3, s5;
	[dreg:$0x0] =	wrdreg $0x0  }
0xae: {  	s5 =	sshll.u32 s28, $0x1;
	[dreg:$0x2] =	wrdreg s3  }
0xaf: {  	[dreg:$0x3] =	wrdreg s5  }
0xb0: {  	[dreg:$0x4] =	wrdreg $0xC0  }
0xb1: {  	_ =	task [dreg:s7], $0x5FFFF  }
0xb2: {  	[dreg:$0x1] =	wrdreg $0xFFFFFFFF  }
0xb3: {  	[dreg:$0x0] =	wrdreg $0x60  }
0xb4: {  	[dreg:$0x2] =	wrdreg s16  }
0xb5: {  	[dreg:$0x3] =	wrdreg s24  }
0xb6: {  	[dreg:$0x4] =	wrdreg $0x9  }
0xb7: {  	_ =	task.clear_ibuf [dreg:s7], $0x5FFFF;
	_ =	strace $0x90000046  }
0xb8: {  	s29 =	simm.s32 $0x9;
	_ =	strace $0x80000048  }
0xb9: {  	_ =	swait.ge [sflag:s29], $0x1  }
0xba: {  	[sflag:s29] =	ssyncadd.s32 $0xFFFFFFFF  }
0xbb: {  	_ =	strace $0x90000048  }
0xbc: {  	_ =	sfence  }
0xbd: {  	s30 =	sld [smem:$0x0];
	_ =	sdelay $0x2  }
0xbe: {  	s31 =	sshll.u32 s1, $0xD;
	s1 =	sshrl.u32 s1, $0x2  }
0xbf: {  	s3 =	sand.u32 $0x4000, s31;
	s1 =	sadd.s32 s1, s30  }
0xc0: {  	s0 =	sor.u32 s3, s0;
	s1 =	sshll.u32 s1, $0x11  }
0xc1: {  	s0 =	sor.u32 s1, s0  }
0xc2: {  	s0 =	sadd.s32 $0x8F2B, s0  }
0xc3: {  	[sflag:s0] =	ssyncadd.remote.s32 $0x1  }
0xc4: {  	_ =	sfence.sel $0xFFFF  }
0xc5: {  	[dreg:$0x0] =	wrdreg $0xFFFFFFFF;
	(pc) =	sbr.abs _section_cstart, $3  }
0xc6: {  	[dreg:$0x1] =	wrdreg $0xFFFFFFFF  }
0xc7: {  	_ =	task.clear_ibuf [dreg:s7], $0x2FFFF;
	_ =	strace $0x9FFFFFFF  }
0xc8: {  	(tm) =	ssettm $0x7FFFFFFF  }
0xc9: {  	_ =	shalt  }
tec
execute0_lowered:
.L_overlay_start_1:
0x0: {  	(tag) =	ssettag $0x1  }
0x1: {  	s0 =	rddreg [dreg:$0x0]  }
0x2: {  	s1 =	rddreg [dreg:$0x1];
	s2 =	simm.s32 $0x0  }
0x3: {  	s3 =	srdreg.scid;
	s5 =	stileid.u32;
	s28 =	simm.s32 $0x7  }
0x4: {  	s29 =	simm.s32 $0x8;
	s30 =	simm.s32 $0x5;
	s31 =	simm.s32 $0x0  }
0x5: {  	[smem:$0x7FF] =	sst s2;
	s13 =	sand.u32 $0x1, s3;
	s15 =	sadd.s32 $0xA00, s1  }
0x6: {  	s17 =	sshll.u32 s5, $0x1;
	s14 =	sadd.s32 $0x1E84E00, s1;
	_ =	strace $0x80000047  }
0x7: {  	s25 =	sor.u32 s13, s17;
	s17 =	sadd.s32 $0xF42E00, s1;
	s23 =	smul.u32 $0x78100, s13  }
0x8: {  	s4 =	ssub.s32 $0x2, s13;
	s13 =	sadd.s32 $0xF02A00, s1;
	s8 =	smul.u32 $0x3C0800, s25  }
0x9: {  	s18 =	sshrl.u32 s4, $0x1;
	s6 =	sshll.u32 s25, $0xD;
	s10 =	smul.u32 $0x78100, s25  }
0xa: {  	p0 =	sne.s32 s25, $0x0;
	s25 =	simm.s32 $0x4;
	s16 =	ssub.s32 s4, s18  }
0xb: {  	s19 =	sadd.s32 s0, s6;
	s20 =	sadd.s32 s17, s6;
	s7 =	sor.u32 $0xF00, s6  }
0xc: {  	s9 =	sor.u32 $0x1E00, s6;
	s18 =	smul.u32 $0xF0200, s5;
	[dreg:$0x3] =	wrdreg s19  }
0xd: {  	[dreg:$0x4] =	wrdreg s20;
	s21 =	sadd.s32 s0, s7;
	s6 =	sadd.s32 s17, s7  }
0xe: {  	s7 =	sadd.s32 s0, s9;
	s22 =	sshrl.u32 s8, $0x3;
	s8 =	sadd.s32 s17, s9  }
0xf: {  	s9 =	sadd.s32 s15, s10;
	s19 =	simm.s32 $0x7800;
	s20 =	simm.s32 $0x1  }
0x10: {  	[dreg:$0x5] =	wrdreg s21;
	s11 =	sadd.s32 s15, s22;
	s0 =	sadd.s32 s17, s22  }
.Ltmp0:
0x11: {  	s24 =	sadd.s32 s18, s15;
	s15 =	smax.u32 s16, $0x1;
	(pc) =	sbr.rel .LBB2_1-.Ltmp0, $4  }
0x12: {  	s26 =	sadd.s32 s18, s17;
	s18 =	simm.s32 $0x9;
	s21 =	simm.s32 $0xF000  }
0x13: {  	s22 =	simm.s32 $0x2;
	s10 =	sadd.s32 $0xF00, s11;
	s11 =	sadd.s32 $0x78000, s11  }
0x14: {  	s12 =	sadd.s32 $0xB8000, s0;
	s16 =	sadd.s32 s23, s24;
	s17 =	sadd.s32 s23, s26  }
0x15: {  	s23 =	simm.s32 $0x16800;
	s24 =	simm.s32 $0x3;
	s26 =	simm.s32 $0x6  }
.LBB2_4:
0x16: {  	_ =	swait.ge [sflag:s20], $0x800  }
0x17: {  	[sflag:s20] =	ssyncset.done $0x0  }
0x18: {  	[sflag:s20] =	ssyncadd.s32 $0xFFFFF800  }
0x19: {  	[hbm4b:s12+s2] =	stream.linear.scatter [tilespmem:s2], [sflag:$0x5], $0x800, $0x38;
	[tilespmem:$0x1E000] =	vst v63  }
0x1a: {  	_ =	swait.ge [sflag:s26], $0x7800  }
0x1b: {  	[sflag:s26] =	ssyncset.done $0x0  }
0x1c: {  	[sflag:s26] =	ssyncadd.s32 $0xFFFF8800  }
0x1d: {  	_ =	swait.ge [sflag:s28], $0x7800  }
0x1e: {  	[sflag:s28] =	ssyncset.done $0x0  }
0x1f: {  	[sflag:s28] =	ssyncadd.s32 $0xFFFF8800  }
0x20: {  	_ =	swait.ge [sflag:s29], $0x7800  }
0x21: {  	[sflag:s29] =	ssyncset.done $0x0  }
0x22: {  	[sflag:s29] =	ssyncadd.s32 $0xFFFF8800  }
0x23: {  	_ =	swait.ge [sflag:s30], $0x800  }
0x24: {  	[sflag:s30] =	ssyncset.done $0x0  }
0x25: {  	s0 =	simm.s32 @!p0 $0x0;
	s1 =	simm.s32 @!p0 $0x9;
	[sflag:s30] =	ssyncadd.s32 $0xFFFFF800  }
0x26: {  	[tilespmem:s0], [sflag:$0x9] =	stream.linear.gather @!p0 [hbm4b:s13+s0], $0x2000, $0x38;
	[tilespmem:$0x1E000] =	vst v63  }
0x27: {  	s31 =	sadd.s32 $0x1, s31;
	_ =	swait.ge @!p0 [sflag:s1], $0x2000  }
0x28: {  	p1 =	sne.s32 s31, s15;
	[sflag:s1] =	ssyncset.done @!p0 $0x0  }
.Ltmp1:
0x29: {  	[sflag:s1] =	ssyncadd.s32 @!p0 $0xFFFFE000;
	(pc) =	sbr.rel @!p1 .LBB2_5-.Ltmp1, $4  }
0x2a: {  	[hbm4b:s14+s0] =	stream.linear.scatter @!p0 [tilespmem:s0], [sflag:$0x9], $0x2000, $0x38;
	[tilespmem:$0x1E000] =	vst v63  }
0x2b: {  	_ =	swait.ge @!p0 [sflag:s1], $0x2000  }
0x2c: {  	[sflag:s1] =	ssyncset.done @!p0 $0x0  }
0x2d: {  	[sflag:s1] =	ssyncadd.s32 @!p0 $0xFFFFE000  }
.LBB2_1:
0x2e: {  	s0 =	rddreg [dreg:$0x3]  }
0x2f: {  	[tilespmem:s2], [sflag:$0x9] =	stream.linear.gather [hbm4b:s0+s2], $0x7800, $0x38;
	[tilespmem:$0x1E000] =	vst v63  }
0x30: {  	_ =	swait.ge [sflag:s18], $0x7800  }
0x31: {  	[sflag:s18] =	ssyncset.done $0x0  }
0x32: {  	s4 =	rddreg [dreg:$0x4];
	[sflag:s18] =	ssyncadd.s32 $0xFFFF8800  }
0x33: {  	[hbm4b:s4+s2] =	stream.linear.scatter [tilespmem:s2], [sflag:$0x9], $0x7800, $0x38;
	[tilespmem:$0x1E000] =	vst v63  }
0x34: {  	_ =	swait.ge [sflag:s18], $0x7800  }
0x35: {  	[sflag:s18] =	ssyncset.done $0x0  }
0x36: {  	s5 =	rddreg [dreg:$0x5];
	[sflag:s18] =	ssyncadd.s32 $0xFFFF8800  }
0x37: {  	[tilespmem:s2], [sflag:$0x9] =	stream.linear.gather [hbm4b:s5+s2], $0x7800, $0x38;
	[tilespmem:$0x1E000] =	vst v63  }
0x38: {  	_ =	swait.ge [sflag:s18], $0x7800  }
0x39: {  	[sflag:s18] =	ssyncset.done $0x0  }
0x3a: {  	[sflag:s18] =	ssyncadd.s32 $0xFFFF8800  }
0x3b: {  	[hbm4b:s6+s2] =	stream.linear.scatter [tilespmem:s2], [sflag:$0x9], $0x7800, $0x38;
	[tilespmem:$0x1E000] =	vst v63  }
0x3c: {  	_ =	swait.ge [sflag:s18], $0x7800  }
0x3d: {  	[sflag:s18] =	ssyncset.done $0x0  }
0x3e: {  	[sflag:s18] =	ssyncadd.s32 $0xFFFF8800  }
0x3f: {  	[tilespmem:s2], [sflag:$0x9] =	stream.linear.gather [hbm4b:s7+s2], $0x1000, $0x38;
	[tilespmem:$0x1E000] =	vst v63  }
0x40: {  	_ =	swait.ge [sflag:s18], $0x1000  }
0x41: {  	[sflag:s18] =	ssyncset.done $0x0  }
0x42: {  	[sflag:s18] =	ssyncadd.s32 $0xFFFFF000  }
0x43: {  	[hbm4b:s8+s2] =	stream.linear.scatter [tilespmem:s2], [sflag:$0x9], $0x1000, $0x38;
	[tilespmem:$0x1E000] =	vst v63  }
0x44: {  	_ =	swait.ge [sflag:s18], $0x1000  }
0x45: {  	[sflag:s18] =	ssyncset.done $0x0  }
0x46: {  	[sflag:s18] =	ssyncadd.s32 $0xFFFFF000  }
0x47: {  	[tilespmem:s2], [sflag:$0x1] =	stream.linear.gather [hbm4b:s9+s2], $0x7800, $0x38;
	[tilespmem:$0x1E000] =	vst v63  }
0x48: {  	s0 =	simm.s32 $0x0  }
0x49: {  	[tilespmem:s19], [sflag:$0x2] =	stream.linear.gather [hbm4b:s10+s2], $0x7800, $0x38;
	[tilespmem:$0x1E000] =	vst v63  }
.LBB2_2:
0x4a: {  	_ =	swait.ge [sflag:s20], $0x7800  }
0x4b: {  	s3 =	sadd.s32 s0, s17;
	p1 =	seq.s32 s0, $0x0;
	[sflag:s20] =	ssyncset.done $0x0  }
0x4c: {  	s1 =	sadd.s32 $0x40000, s3;
	s4 =	simm.s32 @!p1 $0x7;
	[sflag:s20] =	ssyncadd.s32 $0xFFFF8800  }
0x4d: {  	[hbm4b:s1+s2] =	stream.linear.scatter [tilespmem:s2], [sflag:$0x5], $0x7800, $0x38;
	[tilespmem:$0x1E000] =	vst v63  }
0x4e: {  	_ =	swait.ge @!p1 [sflag:s4], $0x7800  }
0x4f: {  	s1 =	sadd.s32 s0, s16;
	[sflag:s4] =	ssyncset.done @!p1 $0x0  }
0x50: {  	s5 =	sadd.s32 $0x1E00, s1;
	[sflag:s4] =	ssyncadd.s32 @!p1 $0xFFFF8800  }
0x51: {  	[tilespmem:s21], [sflag:$0x3] =	stream.linear.gather [hbm4b:s5+s2], $0x7800, $0x38;
	[tilespmem:$0x1E000] =	vst v63  }
0x52: {  	_ =	swait.ge [sflag:s22], $0x7800  }
0x53: {  	[sflag:s22] =	ssyncset.done $0x0  }
0x54: {  	s4 =	simm.s32 @!p1 $0x8;
	s5 =	sadd.s32 $0x40F00, s3;
	[sflag:s22] =	ssyncadd.s32 $0xFFFF8800  }
0x55: {  	[hbm4b:s5+s2] =	stream.linear.scatter [tilespmem:s19], [sflag:$0x6], $0x7800, $0x38;
	[tilespmem:$0x1E000] =	vst v63  }
0x56: {  	_ =	swait.ge @!p1 [sflag:s4], $0x7800  }
0x57: {  	[sflag:s4] =	ssyncset.done @!p1 $0x0  }
0x58: {  	s5 =	sadd.s32 $0x2D00, s1;
	[sflag:s4] =	ssyncadd.s32 @!p1 $0xFFFF8800  }
0x59: {  	[tilespmem:s23], [sflag:$0x4] =	stream.linear.gather [hbm4b:s5+s2], $0x7800, $0x38;
	[tilespmem:$0x1E000] =	vst v63  }
0x5a: {  	_ =	swait.ge [sflag:s24], $0x7800  }
0x5b: {  	p1 =	seq.s32 s0, $0x74400;
	[sflag:s24] =	ssyncset.done $0x0  }
0x5c: {  	s5 =	sadd.s32 $0x41E00, s3;
	s4 =	simm.s32 @p1 $0x5;
	[sflag:s24] =	ssyncadd.s32 $0xFFFF8800  }
0x5d: {  	[hbm4b:s5+s2] =	stream.linear.scatter [tilespmem:s21], [sflag:$0x7], $0x7800, $0x38;
	[tilespmem:$0x1E000] =	vst v63  }
0x5e: {  	_ =	swait.ge @p1 [sflag:s4], $0x7800  }
0x5f: {  	[sflag:s4] =	ssyncset.done @p1 $0x0  }
0x60: {  	[sflag:s4] =	ssyncadd.s32 @p1 $0xFFFF8800;
	s4 =	simm.s32 @p1 $0x0  }
0x61: {  	[tilespmem:s4], [sflag:$0x1] =	stream.linear.gather @p1 [hbm4b:s11+s4], $0x800, $0x38;
	[tilespmem:$0x1E000] =	vst v63  }
0x62: {  	s4 =	simm.s32 @!p1 $0x5  }
0x63: {  	_ =	swait.ge @!p1 [sflag:s4], $0x7800  }
0x64: {  	s5 =	sadd.s32 @!p1 s0, s16;
	[sflag:s4] =	ssyncset.done @!p1 $0x0  }
0x65: {  	[sflag:s4] =	ssyncadd.s32 @!p1 $0xFFFF8800;
	s4 =	sadd.s32 @!p1 $0x3C00, s5;
	s5 =	simm.s32 @!p1 $0x0  }
0x66: {  	[tilespmem:s5], [sflag:$0x1] =	stream.linear.gather @!p1 [hbm4b:s4+s5], $0x7800, $0x38;
	[tilespmem:$0x1E000] =	vst v63  }
.Ltmp2:
0x67: {  	_ = 	snop;
	(pc) =	sbr.rel @p1 .LBB2_4-.Ltmp2, $4  }
0x68: {  	_ =	swait.ge [sflag:s25], $0x7800  }
0x69: {  	[sflag:s25] =	ssyncset.done $0x0  }
0x6a: {  	s3 =	sadd.s32 $0x42D00, s3;
	[sflag:s25] =	ssyncadd.s32 $0xFFFF8800  }
0x6b: {  	[hbm4b:s3+s2] =	stream.linear.scatter [tilespmem:s23], [sflag:$0x8], $0x7800, $0x38;
	[tilespmem:$0x1E000] =	vst v63  }
.Ltmp3:
0x6c: {  	(pc) =	sbr.rel .LBB2_2-.Ltmp3, $4  }
0x6d: {  	_ =	swait.ge [sflag:s26], $0x7800  }
0x6e: {  	[sflag:s26] =	ssyncset.done $0x0  }
0x6f: {  	s1 =	sadd.s32 $0x4B00, s1;
	s0 =	sadd.s32 $0x3C00, s0;
	[sflag:s26] =	ssyncadd.s32 $0xFFFF8800  }
0x70: {  	[tilespmem:s19], [sflag:$0x2] =	stream.linear.gather [hbm4b:s1+s2], $0x7800, $0x38;
	[tilespmem:$0x1E000] =	vst v63  }
.LBB2_5:
0x71: {  	_ =	sfence.sel $0x180000  }
0x72: {  	[bflag:$0x0] =	sbarrier.arrive $0xFFFF  }
0x73: {  	_ =	strace $0x90000047  }
0x74: {  	s0 =	stileid.u32;
	[bflag:$0x2] =	sbarrier.arrive $0xFFFF  }
0x75: {  	p0 =	sne.s32 s0, $0x0;
	s0 =	rddreg [dreg:$0x2]  }
0x76: {  	s0 =	sadd.s32 @!p0 $0x100000, s0  }
0x77: {  	[sflag:s0] =	ssyncadd.tile.s32 @!p0 $0x1;
	_ =	shalt  }
.Lfunc_end2:
_tile_overlayer_lowered:
.L_overlay_start_2:
0x78: {  	(tag) =	ssettag $0x2  }
0x79: {  	s0 =	rddreg [dreg:$0x0];
	s2 =	stileid.u32  }
0x7a: {  	s1 =	rddreg [dreg:$0x1];
	p0 =	sne.s32 s2, $0x0  }
0x7b: {  	s3 =	rddreg [dreg:$0x2];
	[bflag:$0x3] =	sbarrier.arrive $0xFFFF;
	s2 =	simm.s32 @!p0 $0x1C09  }
0x7c: {  	[timem:s3], [sflag:s2] =	dma.local @!p0 [hbm:s0], s1  }
0x7d: {  	s0 =	simm.s32 @!p0 $0x9  }
0x7e: {  	_ =	swait.ge @!p0 [sflag:s0], s1  }
0x7f: {  	s1 =	ssub.s32 @!p0 $0x0, s1;
	[sflag:s0] =	ssyncset.done @!p0 $0x0  }
0x80: {  	[sflag:s0] =	ssyncadd.s32 @!p0 s1  }
0x81: {  	[bflag:$0x3] =	sbarrier.arrive $0xFFFF  }
0x82: {  	_ =	shalt  }

</sc_bundles>
